<compile_context>
chip_gen: v7x
topology: tpu7x:2x2x1
jax: 0.10.2.dev20260603
libtpu: 0.0.44.dev20260713+nightly
codegen_flags: <defaults>
</compile_context>

<pallas_src>
import functools

import jax
import jax.numpy as jnp
from jax import lax
from jax.experimental import pallas as pl
from jax.experimental.pallas import tpu as pltpu
from jax.experimental.pallas import tpu_sc as plsc

_K = 32
_MASK31 = 0x7FFFFFFF
_INT_MIN = -2147483648
_BIG = 3.0e38
_NW = 32
_RPW = 128 // _NW


def _keys_of(x):
    i = lax.bitcast_convert_type(x, jnp.int32)
    return jnp.where(i >= 0, i, i ^ jnp.int32(_MASK31))


def _kth_largest_key(key, k):
    rows = key.shape[0]
    tu = jnp.zeros((rows, 1), jnp.int32)

    def body(b, tu):
        bit = lax.shift_left(jnp.int32(1), 31 - b)
        cand = tu | bit
        thr = cand ^ jnp.int32(_INT_MIN)
        cnt = jnp.sum(jnp.where(key >= thr, 1.0, 0.0).astype(jnp.float32),
                      axis=1, keepdims=True)
        return jnp.where(cnt >= jnp.float32(k), cand, tu)

    tu = lax.fori_loop(0, 32, body, tu, unroll=True)
    return tu ^ jnp.int32(_INT_MIN)


def _key_to_float(kk):
    bits = jnp.where(kk >= 0, kk, kk ^ jnp.int32(_MASK31))
    return lax.bitcast_convert_type(bits, jnp.float32)


_G = 128
_NG = 8192 // _G


def _tc_a_body(x_ref, sr_ref, l16_ref):
    x = x_ref[...]
    m = jnp.max(x.reshape(128, _NG, _G), axis=2)
    lkey = _kth_largest_key(_keys_of(m), _K)
    l = _key_to_float(lkey)
    l16_ref[...] = jnp.broadcast_to(l, (128, 16))
    flags = jnp.where(m > l, 1.0, 0.0).astype(jnp.float32)
    ri = lax.broadcasted_iota(jnp.int32, (_NG, _NG), 0)
    ci = lax.broadcasted_iota(jnp.int32, (_NG, _NG), 1)
    tri = (ri <= ci).astype(jnp.float32)
    ranks = lax.dot_general(flags, tri, (((1,), (0,)), ((), ())),
                            preferred_element_type=jnp.float32)
    sr_ref[...] = flags * ranks


def _sc_body(sr_hbm, xt_hbm, buf_hbm, sr_v, idx_v, rows_v, sem):
    wid = lax.axis_index("s") * 2 + lax.axis_index("c")
    r0 = wid * _RPW
    pltpu.sync_copy(sr_hbm.at[pl.ds(r0 * _NG, _RPW * _NG)], sr_v)

    zeros = jnp.zeros((16,), jnp.int32)
    for v in range(8):
        idx_v[pl.ds(v * 16, 16)] = zeros

    lane = lax.iota(jnp.int32, 16)
    for row_i in range(_RPW):
        base = jnp.int32(row_i * _K - 1)
        for j in range(_NG // 16):
            rvec = sr_v[pl.ds(row_i * _NG + j * 16, 16)]
            flag = rvec > jnp.float32(0.0)
            pos = base + rvec.astype(jnp.int32)
            ids = lane + ((r0 + row_i) * _NG + j * 16)
            plsc.store_scatter(idx_v, [pos], ids, mask=flag)
    pltpu.async_copy(xt_hbm.at[idx_v], rows_v, sem).wait()
    pltpu.sync_copy(rows_v, buf_hbm.at[pl.ds(wid * 128, 128)])


def _sc_gather(sr_flat, xt):
    sc = pl.kernel(
        _sc_body,
        out_type=jax.ShapeDtypeStruct((4096, _G), jnp.float32),
        mesh=plsc.VectorSubcoreMesh(core_axis_name="c", subcore_axis_name="s"),
        compiler_params=pltpu.CompilerParams(needs_layout_passes=False),
        scratch_types=[
            pltpu.VMEM((_RPW * _NG,), jnp.float32),
            pltpu.VMEM((128,), jnp.int32),
            pltpu.VMEM((128, _G), jnp.float32),
            pltpu.SemaphoreType.DMA,
        ],
    )
    return sc(sr_flat, xt)


def _tc_b_body(x_ref, sr_ref, l16_ref, buf_ref, o_ref):
    x = x_ref[...]
    l1 = l16_ref[...][:, 0:1]
    n1 = jnp.max(sr_ref[...], axis=1, keepdims=True)
    buf = buf_ref[...].reshape(128, _K, _G)
    jf = lax.broadcasted_iota(jnp.int32, (1, _K, 1), 1).astype(jnp.float32)
    empty = jnp.where(jf >= n1[:, :, None], 1.0, 0.0)
    buf = buf - empty * jnp.float32(_BIG)
    tkey = _kth_largest_key(_keys_of(buf.reshape(128, _K * _G)), _K)
    kth = _key_to_float(jnp.maximum(_keys_of(l1), tkey))
    o_ref[...] = jnp.where(x >= kth, x, jnp.float32(0.0))


def kernel(x):
    sr, l16 = pl.pallas_call(
        _tc_a_body,
        out_shape=[jax.ShapeDtypeStruct((128, _NG), jnp.float32),
                   jax.ShapeDtypeStruct((128, 16), jnp.float32)],
    )(x)
    buf = _sc_gather(sr.reshape(128 * _NG), x.reshape(128 * _NG, _G))
    return pl.pallas_call(
        _tc_b_body,
        out_shape=jax.ShapeDtypeStruct(x.shape, x.dtype),
    )(x, sr, l16, buf)

# --- scband reference (transcript-rebuilt; emitter-appended) ---
"""Pipeline reference for scband-sparsify-kact1d-39109972198309 (READ-ONLY COPY).

The authoritative reference and input builder live on the scoring server;
editing this copy changes nothing except your own understanding.
"""

import jax, jax.numpy as jnp
import numpy as np

K = 32

def setup_inputs(seed: int = 0) -> dict:
    key = jax.random.key(seed)
    x = jax.random.normal(key, (128, 8192), dtype=jnp.float32)
    return {"x": x}

def reference(x):
    # topval = x.topk(k, dim=1)[0][:, -1]  -> k-th largest value per row
    topvals, _ = jax.lax.top_k(x, K)
    topval = topvals[:, -1]  # [B]
    # torch: topval.expand(N, B).permute(1, 0) -> broadcast threshold per row
    comp = (x >= topval[:, None]).astype(x.dtype)
    return comp * x

if __name__ == "__main__":
    import jax
    _d = setup_inputs()
    print(jax.jit(kernel)(*tuple(_d.values())))

</pallas_src>

<mosaic_0001>
#map = affine_map<(d0, d1) -> (0)>
#map1 = affine_map<(d0, d1) -> (0, 0)>
module attributes {stable_mosaic.version = 14 : i64} {
  func.func @_sc_body(%arg0: i32, %arg1: i32, %arg2: memref<8192xf32, #tpu.memory_space<hbm>>, %arg3: memref<8192x128xf32, #tpu.memory_space<hbm>>, %arg4: memref<4096x128xf32, #tpu.memory_space<hbm>>, %arg5: memref<256xf32, #tpu.memory_space<vmem>>, %arg6: memref<128xi32, #tpu.memory_space<vmem>>, %arg7: memref<128x128xf32, #tpu.memory_space<vmem>>, %arg8: memref<!tpu.dma_semaphore, #tpu.memory_space<semaphore_mem>>) attributes {dimension_semantics = [#tpu.dimension_semantics<core_parallel>, #tpu.dimension_semantics<subcore_parallel>], iteration_bounds = array<i64: 2, 16>, scalar_prefetch = 0 : i64, scratch_operands = 4 : i64, tpu.core_type = #tpu.core_type<sc_vector_subcore>, window_params = [{transform_indices = #map}, {transform_indices = #map1}, {transform_indices = #map1}]} {
    %mul3A = arith.constant 2 : i32
    %mul3A_0 = arith.muli %arg1, %mul3A : i32
    %add3A = arith.addi %mul3A_0, %arg0 : i32
    %mul3A_1 = arith.constant 4 : i32
    %mul3A_2 = arith.muli %add3A, %mul3A_1 : i32
    %mul3A_3 = arith.constant 64 : i32
    %mul3A_4 = arith.muli %mul3A_2, %mul3A_3 : i32
    "tpu.region"() ({
      %run_scoped3A = tpu.sem_alloc : memref<!tpu.dma_semaphore, #tpu.memory_space<semaphore_mem>>
      %dma_start3A_296 = tpu.memref_slice %arg2[%mul3A_4] : memref<8192xf32, #tpu.memory_space<hbm>> -> memref<256xf32, #tpu.memory_space<hbm>>
      %dma_start3A_297 = tpu.memref_slice %arg2[%mul3A_4] : memref<8192xf32, #tpu.memory_space<hbm>> -> memref<256xf32, #tpu.memory_space<hbm>>
      tpu.enqueue_dma source(%dma_start3A_297 : memref<256xf32, #tpu.memory_space<hbm>>) target(%arg5 : memref<256xf32, #tpu.memory_space<vmem>>) target_semaphore(%run_scoped3A : memref<!tpu.dma_semaphore, #tpu.memory_space<semaphore_mem>>)
      %dma_wait3A_298 = tpu.memref_slice %arg2[%mul3A_4] : memref<8192xf32, #tpu.memory_space<hbm>> -> memref<256xf32, #tpu.memory_space<hbm>>
      %dma_wait3A_299 = tpu.memref_slice %arg2[%mul3A_4] : memref<8192xf32, #tpu.memory_space<hbm>> -> memref<256xf32, #tpu.memory_space<hbm>>
      tpu.wait_dma2 semaphore(%run_scoped3A : memref<!tpu.dma_semaphore, #tpu.memory_space<semaphore_mem>>) src(%dma_wait3A_299 : memref<256xf32, #tpu.memory_space<hbm>>) dst(%arg5 : memref<256xf32, #tpu.memory_space<vmem>>)
      tpu.yield
    }) : () -> ()
    %broadcast_in_dim3A = arith.constant 0 : i32
    %broadcast_in_dim3A_5 = vector.broadcast %broadcast_in_dim3A : i32 to vector<16xi32>
    %swap3A = arith.constant 0 : index
    %swap3A_6 = tpu.vector_load %arg6[%swap3A] {strides = array<i32>} : memref<128xi32, #tpu.memory_space<vmem>>, vector<16xi32>,
    tpu.vector_store %arg6[%swap3A], %broadcast_in_dim3A_5 {strides = array<i32>} : memref<128xi32, #tpu.memory_space<vmem>>, vector<16xi32>,
    %swap3A_7 = arith.constant 16 : index
    %swap3A_8 = tpu.vector_load %arg6[%swap3A_7] {strides = array<i32>} : memref<128xi32, #tpu.memory_space<vmem>>, vector<16xi32>,
    tpu.vector_store %arg6[%swap3A_7], %broadcast_in_dim3A_5 {strides = array<i32>} : memref<128xi32, #tpu.memory_space<vmem>>, vector<16xi32>,
    %swap3A_9 = arith.constant 32 : index
    %swap3A_10 = tpu.vector_load %arg6[%swap3A_9] {strides = array<i32>} : memref<128xi32, #tpu.memory_space<vmem>>, vector<16xi32>,
    tpu.vector_store %arg6[%swap3A_9], %broadcast_in_dim3A_5 {strides = array<i32>} : memref<128xi32, #tpu.memory_space<vmem>>, vector<16xi32>,
    %swap3A_11 = arith.constant 48 : index
    %swap3A_12 = tpu.vector_load %arg6[%swap3A_11] {strides = array<i32>} : memref<128xi32, #tpu.memory_space<vmem>>, vector<16xi32>,
    tpu.vector_store %arg6[%swap3A_11], %broadcast_in_dim3A_5 {strides = array<i32>} : memref<128xi32, #tpu.memory_space<vmem>>, vector<16xi32>,
    %swap3A_13 = arith.constant 64 : index
    %swap3A_14 = tpu.vector_load %arg6[%swap3A_13] {strides = array<i32>} : memref<128xi32, #tpu.memory_space<vmem>>, vector<16xi32>,
    tpu.vector_store %arg6[%swap3A_13], %broadcast_in_dim3A_5 {strides = array<i32>} : memref<128xi32, #tpu.memory_space<vmem>>, vector<16xi32>,
    %swap3A_15 = arith.constant 80 : index
    %swap3A_16 = tpu.vector_load %arg6[%swap3A_15] {strides = array<i32>} : memref<128xi32, #tpu.memory_space<vmem>>, vector<16xi32>,
    tpu.vector_store %arg6[%swap3A_15], %broadcast_in_dim3A_5 {strides = array<i32>} : memref<128xi32, #tpu.memory_space<vmem>>, vector<16xi32>,
    %swap3A_17 = arith.constant 96 : index
    %swap3A_18 = tpu.vector_load %arg6[%swap3A_17] {strides = array<i32>} : memref<128xi32, #tpu.memory_space<vmem>>, vector<16xi32>,
    tpu.vector_store %arg6[%swap3A_17], %broadcast_in_dim3A_5 {strides = array<i32>} : memref<128xi32, #tpu.memory_space<vmem>>, vector<16xi32>,
    %swap3A_19 = arith.constant 112 : index
    %swap3A_20 = tpu.vector_load %arg6[%swap3A_19] {strides = array<i32>} : memref<128xi32, #tpu.memory_space<vmem>>, vector<16xi32>,
    tpu.vector_store %arg6[%swap3A_19], %broadcast_in_dim3A_5 {strides = array<i32>} : memref<128xi32, #tpu.memory_space<vmem>>, vector<16xi32>,
    %iota3A = tpu.iota {dimensions = array<i32: 0>} : vector<16xi32>
    %get3A = arith.constant 0 : index
    %get3A_21 = tpu.vector_load %arg5[%get3A] {strides = array<i32>} : memref<256xf32, #tpu.memory_space<vmem>>, vector<16xf32>,
    %gt3A = arith.constant 0.000000e+00 : f32
    %gt3A_22 = vector.broadcast %gt3A : f32 to vector<16xf32>
    %gt3A_23 = arith.cmpf ogt, %get3A_21, %gt3A_22 : vector<16xf32>
    %convert_element_type3A = arith.fptosi %get3A_21 : vector<16xf32> to vector<16xi32>
    %add3A_24 = arith.constant -1 : i32
    %add3A_25 = vector.broadcast %add3A_24 : i32 to vector<16xi32>
    %add3A_26 = arith.addi %add3A_25, %convert_element_type3A : vector<16xi32>
    %add3A_27 = arith.constant 0 : i32
    %add3A_28 = arith.addi %mul3A_2, %add3A_27 : i32
    %mul3A_29 = arith.constant 64 : i32
    %mul3A_30 = arith.muli %add3A_28, %mul3A_29 : i32
    %add3A_31 = arith.constant 0 : i32
    %add3A_32 = arith.addi %mul3A_30, %add3A_31 : i32
    %add3A_33 = vector.broadcast %add3A_32 : i32 to vector<16xi32>
    %add3A_34 = arith.addi %iota3A, %add3A_33 : vector<16xi32>
    tpu.vector_store_idx %arg6[%add3A_26], %add3A_34 masked %gt3A_23 : memref<128xi32, #tpu.memory_space<vmem>>[vector<16xi32>], vector<16xi32>, vector<16xi1>
    %get3A_35 = arith.constant 16 : index
    %get3A_36 = tpu.vector_load %arg5[%get3A_35] {strides = array<i32>} : memref<256xf32, #tpu.memory_space<vmem>>, vector<16xf32>,
    %gt3A_37 = arith.constant 0.000000e+00 : f32
    %gt3A_38 = vector.broadcast %gt3A_37 : f32 to vector<16xf32>
    %gt3A_39 = arith.cmpf ogt, %get3A_36, %gt3A_38 : vector<16xf32>
    %convert_element_type3A_40 = arith.fptosi %get3A_36 : vector<16xf32> to vector<16xi32>
    %add3A_41 = arith.constant -1 : i32
    %add3A_42 = vector.broadcast %add3A_41 : i32 to vector<16xi32>
    %add3A_43 = arith.addi %add3A_42, %convert_element_type3A_40 : vector<16xi32>
    %add3A_44 = arith.constant 0 : i32
    %add3A_45 = arith.addi %mul3A_2, %add3A_44 : i32
    %mul3A_46 = arith.constant 64 : i32
    %mul3A_47 = arith.muli %add3A_45, %mul3A_46 : i32
    %add3A_48 = arith.constant 16 : i32
    %add3A_49 = arith.addi %mul3A_47, %add3A_48 : i32
    %add3A_50 = vector.broadcast %add3A_49 : i32 to vector<16xi32>
    %add3A_51 = arith.addi %iota3A, %add3A_50 : vector<16xi32>
    tpu.vector_store_idx %arg6[%add3A_43], %add3A_51 masked %gt3A_39 : memref<128xi32, #tpu.memory_space<vmem>>[vector<16xi32>], vector<16xi32>, vector<16xi1>
    %get3A_52 = arith.constant 32 : index
    %get3A_53 = tpu.vector_load %arg5[%get3A_52] {strides = array<i32>} : memref<256xf32, #tpu.memory_space<vmem>>, vector<16xf32>,
    %gt3A_54 = arith.constant 0.000000e+00 : f32
    %gt3A_55 = vector.broadcast %gt3A_54 : f32 to vector<16xf32>
    %gt3A_56 = arith.cmpf ogt, %get3A_53, %gt3A_55 : vector<16xf32>
    %convert_element_type3A_57 = arith.fptosi %get3A_53 : vector<16xf32> to vector<16xi32>
    %add3A_58 = arith.constant -1 : i32
    %add3A_59 = vector.broadcast %add3A_58 : i32 to vector<16xi32>
    %add3A_60 = arith.addi %add3A_59, %convert_element_type3A_57 : vector<16xi32>
    %add3A_61 = arith.constant 0 : i32
    %add3A_62 = arith.addi %mul3A_2, %add3A_61 : i32
    %mul3A_63 = arith.constant 64 : i32
    %mul3A_64 = arith.muli %add3A_62, %mul3A_63 : i32
    %add3A_65 = arith.constant 32 : i32
    %add3A_66 = arith.addi %mul3A_64, %add3A_65 : i32
    %add3A_67 = vector.broadcast %add3A_66 : i32 to vector<16xi32>
    %add3A_68 = arith.addi %iota3A, %add3A_67 : vector<16xi32>
    tpu.vector_store_idx %arg6[%add3A_60], %add3A_68 masked %gt3A_56 : memref<128xi32, #tpu.memory_space<vmem>>[vector<16xi32>], vector<16xi32>, vector<16xi1>
    %get3A_69 = arith.constant 48 : index
    %get3A_70 = tpu.vector_load %arg5[%get3A_69] {strides = array<i32>} : memref<256xf32, #tpu.memory_space<vmem>>, vector<16xf32>,
    %gt3A_71 = arith.constant 0.000000e+00 : f32
    %gt3A_72 = vector.broadcast %gt3A_71 : f32 to vector<16xf32>
    %gt3A_73 = arith.cmpf ogt, %get3A_70, %gt3A_72 : vector<16xf32>
    %convert_element_type3A_74 = arith.fptosi %get3A_70 : vector<16xf32> to vector<16xi32>
    %add3A_75 = arith.constant -1 : i32
    %add3A_76 = vector.broadcast %add3A_75 : i32 to vector<16xi32>
    %add3A_77 = arith.addi %add3A_76, %convert_element_type3A_74 : vector<16xi32>
    %add3A_78 = arith.constant 0 : i32
    %add3A_79 = arith.addi %mul3A_2, %add3A_78 : i32
    %mul3A_80 = arith.constant 64 : i32
    %mul3A_81 = arith.muli %add3A_79, %mul3A_80 : i32
    %add3A_82 = arith.constant 48 : i32
    %add3A_83 = arith.addi %mul3A_81, %add3A_82 : i32
    %add3A_84 = vector.broadcast %add3A_83 : i32 to vector<16xi32>
    %add3A_85 = arith.addi %iota3A, %add3A_84 : vector<16xi32>
    tpu.vector_store_idx %arg6[%add3A_77], %add3A_85 masked %gt3A_73 : memref<128xi32, #tpu.memory_space<vmem>>[vector<16xi32>], vector<16xi32>, vector<16xi1>
    %get3A_86 = arith.constant 64 : index
    %get3A_87 = tpu.vector_load %arg5[%get3A_86] {strides = array<i32>} : memref<256xf32, #tpu.memory_space<vmem>>, vector<16xf32>,
    %gt3A_88 = arith.constant 0.000000e+00 : f32
    %gt3A_89 = vector.broadcast %gt3A_88 : f32 to vector<16xf32>
    %gt3A_90 = arith.cmpf ogt, %get3A_87, %gt3A_89 : vector<16xf32>
    %convert_element_type3A_91 = arith.fptosi %get3A_87 : vector<16xf32> to vector<16xi32>
    %add3A_92 = arith.constant 31 : i32
    %add3A_93 = vector.broadcast %add3A_92 : i32 to vector<16xi32>
    %add3A_94 = arith.addi %add3A_93, %convert_element_type3A_91 : vector<16xi32>
    %add3A_95 = arith.constant 1 : i32
    %add3A_96 = arith.addi %mul3A_2, %add3A_95 : i32
    %mul3A_97 = arith.constant 64 : i32
    %mul3A_98 = arith.muli %add3A_96, %mul3A_97 : i32
    %add3A_99 = arith.constant 0 : i32
    %add3A_100 = arith.addi %mul3A_98, %add3A_99 : i32
    %add3A_101 = vector.broadcast %add3A_100 : i32 to vector<16xi32>
    %add3A_102 = arith.addi %iota3A, %add3A_101 : vector<16xi32>
    tpu.vector_store_idx %arg6[%add3A_94], %add3A_102 masked %gt3A_90 : memref<128xi32, #tpu.memory_space<vmem>>[vector<16xi32>], vector<16xi32>, vector<16xi1>
    %get3A_103 = arith.constant 80 : index
    %get3A_104 = tpu.vector_load %arg5[%get3A_103] {strides = array<i32>} : memref<256xf32, #tpu.memory_space<vmem>>, vector<16xf32>,
    %gt3A_105 = arith.constant 0.000000e+00 : f32
    %gt3A_106 = vector.broadcast %gt3A_105 : f32 to vector<16xf32>
    %gt3A_107 = arith.cmpf ogt, %get3A_104, %gt3A_106 : vector<16xf32>
    %convert_element_type3A_108 = arith.fptosi %get3A_104 : vector<16xf32> to vector<16xi32>
    %add3A_109 = arith.constant 31 : i32
    %add3A_110 = vector.broadcast %add3A_109 : i32 to vector<16xi32>
    %add3A_111 = arith.addi %add3A_110, %convert_element_type3A_108 : vector<16xi32>
    %add3A_112 = arith.constant 1 : i32
    %add3A_113 = arith.addi %mul3A_2, %add3A_112 : i32
    %mul3A_114 = arith.constant 64 : i32
    %mul3A_115 = arith.muli %add3A_113, %mul3A_114 : i32
    %add3A_116 = arith.constant 16 : i32
    %add3A_117 = arith.addi %mul3A_115, %add3A_116 : i32
    %add3A_118 = vector.broadcast %add3A_117 : i32 to vector<16xi32>
    %add3A_119 = arith.addi %iota3A, %add3A_118 : vector<16xi32>
    tpu.vector_store_idx %arg6[%add3A_111], %add3A_119 masked %gt3A_107 : memref<128xi32, #tpu.memory_space<vmem>>[vector<16xi32>], vector<16xi32>, vector<16xi1>
    %get3A_120 = arith.constant 96 : index
    %get3A_121 = tpu.vector_load %arg5[%get3A_120] {strides = array<i32>} : memref<256xf32, #tpu.memory_space<vmem>>, vector<16xf32>,
    %gt3A_122 = arith.constant 0.000000e+00 : f32
    %gt3A_123 = vector.broadcast %gt3A_122 : f32 to vector<16xf32>
    %gt3A_124 = arith.cmpf ogt, %get3A_121, %gt3A_123 : vector<16xf32>
    %convert_element_type3A_125 = arith.fptosi %get3A_121 : vector<16xf32> to vector<16xi32>
    %add3A_126 = arith.constant 31 : i32
    %add3A_127 = vector.broadcast %add3A_126 : i32 to vector<16xi32>
    %add3A_128 = arith.addi %add3A_127, %convert_element_type3A_125 : vector<16xi32>
    %add3A_129 = arith.constant 1 : i32
    %add3A_130 = arith.addi %mul3A_2, %add3A_129 : i32
    %mul3A_131 = arith.constant 64 : i32
    %mul3A_132 = arith.muli %add3A_130, %mul3A_131 : i32
    %add3A_133 = arith.constant 32 : i32
    %add3A_134 = arith.addi %mul3A_132, %add3A_133 : i32
    %add3A_135 = vector.broadcast %add3A_134 : i32 to vector<16xi32>
    %add3A_136 = arith.addi %iota3A, %add3A_135 : vector<16xi32>
    tpu.vector_store_idx %arg6[%add3A_128], %add3A_136 masked %gt3A_124 : memref<128xi32, #tpu.memory_space<vmem>>[vector<16xi32>], vector<16xi32>, vector<16xi1>
    %get3A_137 = arith.constant 112 : index
    %get3A_138 = tpu.vector_load %arg5[%get3A_137] {strides = array<i32>} : memref<256xf32, #tpu.memory_space<vmem>>, vector<16xf32>,
    %gt3A_139 = arith.constant 0.000000e+00 : f32
    %gt3A_140 = vector.broadcast %gt3A_139 : f32 to vector<16xf32>
    %gt3A_141 = arith.cmpf ogt, %get3A_138, %gt3A_140 : vector<16xf32>
    %convert_element_type3A_142 = arith.fptosi %get3A_138 : vector<16xf32> to vector<16xi32>
    %add3A_143 = arith.constant 31 : i32
    %add3A_144 = vector.broadcast %add3A_143 : i32 to vector<16xi32>
    %add3A_145 = arith.addi %add3A_144, %convert_element_type3A_142 : vector<16xi32>
    %add3A_146 = arith.constant 1 : i32
    %add3A_147 = arith.addi %mul3A_2, %add3A_146 : i32
    %mul3A_148 = arith.constant 64 : i32
    %mul3A_149 = arith.muli %add3A_147, %mul3A_148 : i32
    %add3A_150 = arith.constant 48 : i32
    %add3A_151 = arith.addi %mul3A_149, %add3A_150 : i32
    %add3A_152 = vector.broadcast %add3A_151 : i32 to vector<16xi32>
    %add3A_153 = arith.addi %iota3A, %add3A_152 : vector<16xi32>
    tpu.vector_store_idx %arg6[%add3A_145], %add3A_153 masked %gt3A_141 : memref<128xi32, #tpu.memory_space<vmem>>[vector<16xi32>], vector<16xi32>, vector<16xi1>
    %get3A_154 = arith.constant 128 : index
    %get3A_155 = tpu.vector_load %arg5[%get3A_154] {strides = array<i32>} : memref<256xf32, #tpu.memory_space<vmem>>, vector<16xf32>,
    %gt3A_156 = arith.constant 0.000000e+00 : f32
    %gt3A_157 = vector.broadcast %gt3A_156 : f32 to vector<16xf32>
    %gt3A_158 = arith.cmpf ogt, %get3A_155, %gt3A_157 : vector<16xf32>
    %convert_element_type3A_159 = arith.fptosi %get3A_155 : vector<16xf32> to vector<16xi32>
    %add3A_160 = arith.constant 63 : i32
    %add3A_161 = vector.broadcast %add3A_160 : i32 to vector<16xi32>
    %add3A_162 = arith.addi %add3A_161, %convert_element_type3A_159 : vector<16xi32>
    %add3A_163 = arith.constant 2 : i32
    %add3A_164 = arith.addi %mul3A_2, %add3A_163 : i32
    %mul3A_165 = arith.constant 64 : i32
    %mul3A_166 = arith.muli %add3A_164, %mul3A_165 : i32
    %add3A_167 = arith.constant 0 : i32
    %add3A_168 = arith.addi %mul3A_166, %add3A_167 : i32
    %add3A_169 = vector.broadcast %add3A_168 : i32 to vector<16xi32>
    %add3A_170 = arith.addi %iota3A, %add3A_169 : vector<16xi32>
    tpu.vector_store_idx %arg6[%add3A_162], %add3A_170 masked %gt3A_158 : memref<128xi32, #tpu.memory_space<vmem>>[vector<16xi32>], vector<16xi32>, vector<16xi1>
    %get3A_171 = arith.constant 144 : index
    %get3A_172 = tpu.vector_load %arg5[%get3A_171] {strides = array<i32>} : memref<256xf32, #tpu.memory_space<vmem>>, vector<16xf32>,
    %gt3A_173 = arith.constant 0.000000e+00 : f32
    %gt3A_174 = vector.broadcast %gt3A_173 : f32 to vector<16xf32>
    %gt3A_175 = arith.cmpf ogt, %get3A_172, %gt3A_174 : vector<16xf32>
    %convert_element_type3A_176 = arith.fptosi %get3A_172 : vector<16xf32> to vector<16xi32>
    %add3A_177 = arith.constant 63 : i32
    %add3A_178 = vector.broadcast %add3A_177 : i32 to vector<16xi32>
    %add3A_179 = arith.addi %add3A_178, %convert_element_type3A_176 : vector<16xi32>
    %add3A_180 = arith.constant 2 : i32
    %add3A_181 = arith.addi %mul3A_2, %add3A_180 : i32
    %mul3A_182 = arith.constant 64 : i32
    %mul3A_183 = arith.muli %add3A_181, %mul3A_182 : i32
    %add3A_184 = arith.constant 16 : i32
    %add3A_185 = arith.addi %mul3A_183, %add3A_184 : i32
    %add3A_186 = vector.broadcast %add3A_185 : i32 to vector<16xi32>
    %add3A_187 = arith.addi %iota3A, %add3A_186 : vector<16xi32>
    tpu.vector_store_idx %arg6[%add3A_179], %add3A_187 masked %gt3A_175 : memref<128xi32, #tpu.memory_space<vmem>>[vector<16xi32>], vector<16xi32>, vector<16xi1>
    %get3A_188 = arith.constant 160 : index
    %get3A_189 = tpu.vector_load %arg5[%get3A_188] {strides = array<i32>} : memref<256xf32, #tpu.memory_space<vmem>>, vector<16xf32>,
    %gt3A_190 = arith.constant 0.000000e+00 : f32
    %gt3A_191 = vector.broadcast %gt3A_190 : f32 to vector<16xf32>
    %gt3A_192 = arith.cmpf ogt, %get3A_189, %gt3A_191 : vector<16xf32>
    %convert_element_type3A_193 = arith.fptosi %get3A_189 : vector<16xf32> to vector<16xi32>
    %add3A_194 = arith.constant 63 : i32
    %add3A_195 = vector.broadcast %add3A_194 : i32 to vector<16xi32>
    %add3A_196 = arith.addi %add3A_195, %convert_element_type3A_193 : vector<16xi32>
    %add3A_197 = arith.constant 2 : i32
    %add3A_198 = arith.addi %mul3A_2, %add3A_197 : i32
    %mul3A_199 = arith.constant 64 : i32
    %mul3A_200 = arith.muli %add3A_198, %mul3A_199 : i32
    %add3A_201 = arith.constant 32 : i32
    %add3A_202 = arith.addi %mul3A_200, %add3A_201 : i32
    %add3A_203 = vector.broadcast %add3A_202 : i32 to vector<16xi32>
    %add3A_204 = arith.addi %iota3A, %add3A_203 : vector<16xi32>
    tpu.vector_store_idx %arg6[%add3A_196], %add3A_204 masked %gt3A_192 : memref<128xi32, #tpu.memory_space<vmem>>[vector<16xi32>], vector<16xi32>, vector<16xi1>
    %get3A_205 = arith.constant 176 : index
    %get3A_206 = tpu.vector_load %arg5[%get3A_205] {strides = array<i32>} : memref<256xf32, #tpu.memory_space<vmem>>, vector<16xf32>,
    %gt3A_207 = arith.constant 0.000000e+00 : f32
    %gt3A_208 = vector.broadcast %gt3A_207 : f32 to vector<16xf32>
    %gt3A_209 = arith.cmpf ogt, %get3A_206, %gt3A_208 : vector<16xf32>
    %convert_element_type3A_210 = arith.fptosi %get3A_206 : vector<16xf32> to vector<16xi32>
    %add3A_211 = arith.constant 63 : i32
    %add3A_212 = vector.broadcast %add3A_211 : i32 to vector<16xi32>
    %add3A_213 = arith.addi %add3A_212, %convert_element_type3A_210 : vector<16xi32>
    %add3A_214 = arith.constant 2 : i32
    %add3A_215 = arith.addi %mul3A_2, %add3A_214 : i32
    %mul3A_216 = arith.constant 64 : i32
    %mul3A_217 = arith.muli %add3A_215, %mul3A_216 : i32
    %add3A_218 = arith.constant 48 : i32
    %add3A_219 = arith.addi %mul3A_217, %add3A_218 : i32
    %add3A_220 = vector.broadcast %add3A_219 : i32 to vector<16xi32>
    %add3A_221 = arith.addi %iota3A, %add3A_220 : vector<16xi32>
    tpu.vector_store_idx %arg6[%add3A_213], %add3A_221 masked %gt3A_209 : memref<128xi32, #tpu.memory_space<vmem>>[vector<16xi32>], vector<16xi32>, vector<16xi1>
    %get3A_222 = arith.constant 192 : index
    %get3A_223 = tpu.vector_load %arg5[%get3A_222] {strides = array<i32>} : memref<256xf32, #tpu.memory_space<vmem>>, vector<16xf32>,
    %gt3A_224 = arith.constant 0.000000e+00 : f32
    %gt3A_225 = vector.broadcast %gt3A_224 : f32 to vector<16xf32>
    %gt3A_226 = arith.cmpf ogt, %get3A_223, %gt3A_225 : vector<16xf32>
    %convert_element_type3A_227 = arith.fptosi %get3A_223 : vector<16xf32> to vector<16xi32>
    %add3A_228 = arith.constant 95 : i32
    %add3A_229 = vector.broadcast %add3A_228 : i32 to vector<16xi32>
    %add3A_230 = arith.addi %add3A_229, %convert_element_type3A_227 : vector<16xi32>
    %add3A_231 = arith.constant 3 : i32
    %add3A_232 = arith.addi %mul3A_2, %add3A_231 : i32
    %mul3A_233 = arith.constant 64 : i32
    %mul3A_234 = arith.muli %add3A_232, %mul3A_233 : i32
    %add3A_235 = arith.constant 0 : i32
    %add3A_236 = arith.addi %mul3A_234, %add3A_235 : i32
    %add3A_237 = vector.broadcast %add3A_236 : i32 to vector<16xi32>
    %add3A_238 = arith.addi %iota3A, %add3A_237 : vector<16xi32>
    tpu.vector_store_idx %arg6[%add3A_230], %add3A_238 masked %gt3A_226 : memref<128xi32, #tpu.memory_space<vmem>>[vector<16xi32>], vector<16xi32>, vector<16xi1>
    %get3A_239 = arith.constant 208 : index
    %get3A_240 = tpu.vector_load %arg5[%get3A_239] {strides = array<i32>} : memref<256xf32, #tpu.memory_space<vmem>>, vector<16xf32>,
    %gt3A_241 = arith.constant 0.000000e+00 : f32
    %gt3A_242 = vector.broadcast %gt3A_241 : f32 to vector<16xf32>
    %gt3A_243 = arith.cmpf ogt, %get3A_240, %gt3A_242 : vector<16xf32>
    %convert_element_type3A_244 = arith.fptosi %get3A_240 : vector<16xf32> to vector<16xi32>
    %add3A_245 = arith.constant 95 : i32
    %add3A_246 = vector.broadcast %add3A_245 : i32 to vector<16xi32>
    %add3A_247 = arith.addi %add3A_246, %convert_element_type3A_244 : vector<16xi32>
    %add3A_248 = arith.constant 3 : i32
    %add3A_249 = arith.addi %mul3A_2, %add3A_248 : i32
    %mul3A_250 = arith.constant 64 : i32
    %mul3A_251 = arith.muli %add3A_249, %mul3A_250 : i32
    %add3A_252 = arith.constant 16 : i32
    %add3A_253 = arith.addi %mul3A_251, %add3A_252 : i32
    %add3A_254 = vector.broadcast %add3A_253 : i32 to vector<16xi32>
    %add3A_255 = arith.addi %iota3A, %add3A_254 : vector<16xi32>
    tpu.vector_store_idx %arg6[%add3A_247], %add3A_255 masked %gt3A_243 : memref<128xi32, #tpu.memory_space<vmem>>[vector<16xi32>], vector<16xi32>, vector<16xi1>
    %get3A_256 = arith.constant 224 : index
    %get3A_257 = tpu.vector_load %arg5[%get3A_256] {strides = array<i32>} : memref<256xf32, #tpu.memory_space<vmem>>, vector<16xf32>,
    %gt3A_258 = arith.constant 0.000000e+00 : f32
    %gt3A_259 = vector.broadcast %gt3A_258 : f32 to vector<16xf32>
    %gt3A_260 = arith.cmpf ogt, %get3A_257, %gt3A_259 : vector<16xf32>
    %convert_element_type3A_261 = arith.fptosi %get3A_257 : vector<16xf32> to vector<16xi32>
    %add3A_262 = arith.constant 95 : i32
    %add3A_263 = vector.broadcast %add3A_262 : i32 to vector<16xi32>
    %add3A_264 = arith.addi %add3A_263, %convert_element_type3A_261 : vector<16xi32>
    %add3A_265 = arith.constant 3 : i32
    %add3A_266 = arith.addi %mul3A_2, %add3A_265 : i32
    %mul3A_267 = arith.constant 64 : i32
    %mul3A_268 = arith.muli %add3A_266, %mul3A_267 : i32
    %add3A_269 = arith.constant 32 : i32
    %add3A_270 = arith.addi %mul3A_268, %add3A_269 : i32
    %add3A_271 = vector.broadcast %add3A_270 : i32 to vector<16xi32>
    %add3A_272 = arith.addi %iota3A, %add3A_271 : vector<16xi32>
    tpu.vector_store_idx %arg6[%add3A_264], %add3A_272 masked %gt3A_260 : memref<128xi32, #tpu.memory_space<vmem>>[vector<16xi32>], vector<16xi32>, vector<16xi1>
    %get3A_273 = arith.constant 240 : index
    %get3A_274 = tpu.vector_load %arg5[%get3A_273] {strides = array<i32>} : memref<256xf32, #tpu.memory_space<vmem>>, vector<16xf32>,
    %gt3A_275 = arith.constant 0.000000e+00 : f32
    %gt3A_276 = vector.broadcast %gt3A_275 : f32 to vector<16xf32>
    %gt3A_277 = arith.cmpf ogt, %get3A_274, %gt3A_276 : vector<16xf32>
    %convert_element_type3A_278 = arith.fptosi %get3A_274 : vector<16xf32> to vector<16xi32>
    %add3A_279 = arith.constant 95 : i32
    %add3A_280 = vector.broadcast %add3A_279 : i32 to vector<16xi32>
    %add3A_281 = arith.addi %add3A_280, %convert_element_type3A_278 : vector<16xi32>
    %add3A_282 = arith.constant 3 : i32
    %add3A_283 = arith.addi %mul3A_2, %add3A_282 : i32
    %mul3A_284 = arith.constant 64 : i32
    %mul3A_285 = arith.muli %add3A_283, %mul3A_284 : i32
    %add3A_286 = arith.constant 48 : i32
    %add3A_287 = arith.addi %mul3A_285, %add3A_286 : i32
    %add3A_288 = vector.broadcast %add3A_287 : i32 to vector<16xi32>
    %add3A_289 = arith.addi %iota3A, %add3A_288 : vector<16xi32>
    tpu.vector_store_idx %arg6[%add3A_281], %add3A_289 masked %gt3A_277 : memref<128xi32, #tpu.memory_space<vmem>>[vector<16xi32>], vector<16xi32>, vector<16xi1>
    %dma_start3A = arith.constant 0 : i32
    %dma_start3A_290 = arith.constant 0 : i32
    %dma_start3A_291 = tpu.memref_slice %arg3[%dma_start3A, %dma_start3A_290] : memref<8192x128xf32, #tpu.memory_space<hbm>> -> memref<8192x128xf32, #tpu.memory_space<hbm>>
    tpu.enqueue_indirect_dma source(%dma_start3A_291 : memref<8192x128xf32, #tpu.memory_space<hbm>>) target(%arg7 : memref<128x128xf32, #tpu.memory_space<vmem>>) offsets(%arg6 : memref<128xi32, #tpu.memory_space<vmem>>) semaphore(%arg8 : memref<!tpu.dma_semaphore, #tpu.memory_space<semaphore_mem>>)
    %dma_wait3A = arith.constant 0 : i32
    %dma_wait3A_292 = arith.constant 0 : i32
    %dma_wait3A_293 = tpu.memref_slice %arg3[%dma_wait3A, %dma_wait3A_292] : memref<8192x128xf32, #tpu.memory_space<hbm>> -> memref<8192x128xf32, #tpu.memory_space<hbm>>
    tpu.wait_indirect_dma semaphore(%arg8 : memref<!tpu.dma_semaphore, #tpu.memory_space<semaphore_mem>>) src(%dma_wait3A_293 : memref<8192x128xf32, #tpu.memory_space<hbm>>) dst(%arg7 : memref<128x128xf32, #tpu.memory_space<vmem>>)
    %mul3A_294 = arith.constant 128 : i32
    %mul3A_295 = arith.muli %add3A, %mul3A_294 : i32
    "tpu.region"() ({
      %run_scoped3A = tpu.sem_alloc : memref<!tpu.dma_semaphore, #tpu.memory_space<semaphore_mem>>
      %dma_start3A_296 = arith.constant 0 : i32
      %dma_start3A_297 = tpu.memref_slice %arg4[%mul3A_295, %dma_start3A_296] : memref<4096x128xf32, #tpu.memory_space<hbm>> -> memref<128x128xf32, #tpu.memory_space<hbm>>
      %dma_start3A_298 = arith.constant 0 : i32
      %dma_start3A_299 = tpu.memref_slice %arg4[%mul3A_295, %dma_start3A_298] : memref<4096x128xf32, #tpu.memory_space<hbm>> -> memref<128x128xf32, #tpu.memory_space<hbm>>
      tpu.enqueue_dma source(%arg7 : memref<128x128xf32, #tpu.memory_space<vmem>>) target(%dma_start3A_299 : memref<128x128xf32, #tpu.memory_space<hbm>>) target_semaphore(%run_scoped3A : memref<!tpu.dma_semaphore, #tpu.memory_space<semaphore_mem>>)
      %dma_wait3A_300 = arith.constant 0 : i32
      %dma_wait3A_301 = tpu.memref_slice %arg4[%mul3A_295, %dma_wait3A_300] : memref<4096x128xf32, #tpu.memory_space<hbm>> -> memref<128x128xf32, #tpu.memory_space<hbm>>
      %dma_wait3A_302 = arith.constant 0 : i32
      %dma_wait3A_303 = tpu.memref_slice %arg4[%mul3A_295, %dma_wait3A_302] : memref<4096x128xf32, #tpu.memory_space<hbm>> -> memref<128x128xf32, #tpu.memory_space<hbm>>
      tpu.wait_dma2 semaphore(%run_scoped3A : memref<!tpu.dma_semaphore, #tpu.memory_space<semaphore_mem>>) src(%arg7 : memref<128x128xf32, #tpu.memory_space<vmem>>) dst(%dma_wait3A_303 : memref<128x128xf32, #tpu.memory_space<hbm>>)
      tpu.yield
    }) : () -> ()
    return
  }
}

module attributes {stable_mosaic.version = 14 : i64} {
  func.func @_tc_a_body(%arg0: memref<128x8192xf32, #tpu.memory_space<vmem>>, %arg1: memref<128x64xf32, #tpu.memory_space<vmem>>, %arg2: memref<128x16xf32, #tpu.memory_space<vmem>>) attributes {dimension_semantics = [], scalar_prefetch = 0 : i64, scratch_operands = 0 : i64, tpu.core_type = #tpu.core_type<tc>} {
    %get3A = arith.constant 0 : index
    %get3A_0 = arith.constant 0 : index
    %get3A_1 = vector.load %arg0[%get3A, %get3A_0] : memref<128x8192xf32, #tpu.memory_space<vmem>>, vector<128x8192xf32>
    %reshape3A = vector.shape_cast %get3A_1 : vector<128x8192xf32> to vector<128x64x128xf32>
    %reduce_max3A = arith.constant dense<0xFF800000> : vector<128x64xf32>
    %reduce_max3A_2 = vector.multi_reduction <maximumf>, %reshape3A, %reduce_max3A [2] : vector<128x64x128xf32> to vector<128x64xf32>
    %bitcast_convert_type3A = tpu.bitcast %reduce_max3A_2 : vector<128x64xf32> -> vector<128x64xi32>
    %ge3A = arith.constant 0 : i32
    %ge3A_3 = vector.broadcast %ge3A : i32 to vector<128x64xi32>
    %ge3A_4 = arith.cmpi sge, %bitcast_convert_type3A, %ge3A_3 : vector<128x64xi32>
    %xor3A = arith.constant 2147483647 : i32
    %xor3A_5 = vector.broadcast %xor3A : i32 to vector<128x64xi32>
    %xor3A_6 = arith.xori %bitcast_convert_type3A, %xor3A_5 : vector<128x64xi32>
    %select_n3A = arith.select %ge3A_4, %bitcast_convert_type3A, %xor3A_6 : vector<128x64xi1>, vector<128x64xi32>
    %broadcast_in_dim3A = arith.constant 0 : i32
    %broadcast_in_dim3A_7 = vector.broadcast %broadcast_in_dim3A : i32 to vector<128x1xi32>
    %scan3A = arith.constant 0 : i32
    %sub3A = arith.constant 31 : i32
    %sub3A_8 = arith.subi %sub3A, %scan3A : i32
    %shift_left3A = arith.constant 1 : i32
    %shift_left3A_9 = arith.shli %shift_left3A, %sub3A_8 : i32
    %or3A = vector.broadcast %shift_left3A_9 : i32 to vector<128x1xi32>
    %or3A_10 = arith.ori %broadcast_in_dim3A_7, %or3A : vector<128x1xi32>
    %xor3A_11 = arith.constant -2147483648 : i32
    %xor3A_12 = vector.broadcast %xor3A_11 : i32 to vector<128x1xi32>
    %xor3A_13 = arith.xori %or3A_10, %xor3A_12 : vector<128x1xi32>
    %ge3A_14 = vector.broadcast %xor3A_13 : vector<128x1xi32> to vector<128x64xi32>
    %ge3A_15 = arith.cmpi sge, %select_n3A, %ge3A_14 : vector<128x64xi32>
    %jit3A = arith.constant 1.000000e+00 : f32
    %jit3A_16 = arith.constant 0.000000e+00 : f32
    %broadcast_in_dim3A_17 = vector.broadcast %jit3A : f32 to vector<128x64xf32>
    %broadcast_in_dim3A_18 = vector.broadcast %jit3A_16 : f32 to vector<128x64xf32>
    %select_n3A_19 = arith.select %ge3A_15, %broadcast_in_dim3A_17, %broadcast_in_dim3A_18 : vector<128x64xi1>, vector<128x64xf32>
    %reduce_sum3A = arith.constant dense<0.000000e+00> : vector<128xf32>
    %reduce_sum3A_20 = vector.multi_reduction <add>, %select_n3A_19, %reduce_sum3A [1] : vector<128x64xf32> to vector<128xf32>
    %broadcast_in_dim3A_21 = vector.shape_cast %reduce_sum3A_20 : vector<128xf32> to vector<128x1xf32>
    %ge3A_22 = arith.constant 3.200000e+01 : f32
    %ge3A_23 = vector.broadcast %ge3A_22 : f32 to vector<128x1xf32>
    %ge3A_24 = arith.cmpf oge, %broadcast_in_dim3A_21, %ge3A_23 : vector<128x1xf32>
    %select_n3A_25 = arith.select %ge3A_24, %or3A_10, %broadcast_in_dim3A_7 : vector<128x1xi1>, vector<128x1xi32>
    %scan3A_26 = arith.constant 1 : i32
    %sub3A_27 = arith.constant 31 : i32
    %sub3A_28 = arith.subi %sub3A_27, %scan3A_26 : i32
    %shift_left3A_29 = arith.constant 1 : i32
    %shift_left3A_30 = arith.shli %shift_left3A_29, %sub3A_28 : i32
    %or3A_31 = vector.broadcast %shift_left3A_30 : i32 to vector<128x1xi32>
    %or3A_32 = arith.ori %select_n3A_25, %or3A_31 : vector<128x1xi32>
    %xor3A_33 = arith.constant -2147483648 : i32
    %xor3A_34 = vector.broadcast %xor3A_33 : i32 to vector<128x1xi32>
    %xor3A_35 = arith.xori %or3A_32, %xor3A_34 : vector<128x1xi32>
    %ge3A_36 = vector.broadcast %xor3A_35 : vector<128x1xi32> to vector<128x64xi32>
    %ge3A_37 = arith.cmpi sge, %select_n3A, %ge3A_36 : vector<128x64xi32>
    %jit3A_38 = arith.constant 1.000000e+00 : f32
    %jit3A_39 = arith.constant 0.000000e+00 : f32
    %broadcast_in_dim3A_40 = vector.broadcast %jit3A_38 : f32 to vector<128x64xf32>
    %broadcast_in_dim3A_41 = vector.broadcast %jit3A_39 : f32 to vector<128x64xf32>
    %select_n3A_42 = arith.select %ge3A_37, %broadcast_in_dim3A_40, %broadcast_in_dim3A_41 : vector<128x64xi1>, vector<128x64xf32>
    %reduce_sum3A_43 = arith.constant dense<0.000000e+00> : vector<128xf32>
    %reduce_sum3A_44 = vector.multi_reduction <add>, %select_n3A_42, %reduce_sum3A_43 [1] : vector<128x64xf32> to vector<128xf32>
    %broadcast_in_dim3A_45 = vector.shape_cast %reduce_sum3A_44 : vector<128xf32> to vector<128x1xf32>
    %ge3A_46 = arith.constant 3.200000e+01 : f32
    %ge3A_47 = vector.broadcast %ge3A_46 : f32 to vector<128x1xf32>
    %ge3A_48 = arith.cmpf oge, %broadcast_in_dim3A_45, %ge3A_47 : vector<128x1xf32>
    %select_n3A_49 = arith.select %ge3A_48, %or3A_32, %select_n3A_25 : vector<128x1xi1>, vector<128x1xi32>
    %scan3A_50 = arith.constant 2 : i32
    %sub3A_51 = arith.constant 31 : i32
    %sub3A_52 = arith.subi %sub3A_51, %scan3A_50 : i32
    %shift_left3A_53 = arith.constant 1 : i32
    %shift_left3A_54 = arith.shli %shift_left3A_53, %sub3A_52 : i32
    %or3A_55 = vector.broadcast %shift_left3A_54 : i32 to vector<128x1xi32>
    %or3A_56 = arith.ori %select_n3A_49, %or3A_55 : vector<128x1xi32>
    %xor3A_57 = arith.constant -2147483648 : i32
    %xor3A_58 = vector.broadcast %xor3A_57 : i32 to vector<128x1xi32>
    %xor3A_59 = arith.xori %or3A_56, %xor3A_58 : vector<128x1xi32>
    %ge3A_60 = vector.broadcast %xor3A_59 : vector<128x1xi32> to vector<128x64xi32>
    %ge3A_61 = arith.cmpi sge, %select_n3A, %ge3A_60 : vector<128x64xi32>
    %jit3A_62 = arith.constant 1.000000e+00 : f32
    %jit3A_63 = arith.constant 0.000000e+00 : f32
    %broadcast_in_dim3A_64 = vector.broadcast %jit3A_62 : f32 to vector<128x64xf32>
    %broadcast_in_dim3A_65 = vector.broadcast %jit3A_63 : f32 to vector<128x64xf32>
    %select_n3A_66 = arith.select %ge3A_61, %broadcast_in_dim3A_64, %broadcast_in_dim3A_65 : vector<128x64xi1>, vector<128x64xf32>
    %reduce_sum3A_67 = arith.constant dense<0.000000e+00> : vector<128xf32>
    %reduce_sum3A_68 = vector.multi_reduction <add>, %select_n3A_66, %reduce_sum3A_67 [1] : vector<128x64xf32> to vector<128xf32>
    %broadcast_in_dim3A_69 = vector.shape_cast %reduce_sum3A_68 : vector<128xf32> to vector<128x1xf32>
    %ge3A_70 = arith.constant 3.200000e+01 : f32
    %ge3A_71 = vector.broadcast %ge3A_70 : f32 to vector<128x1xf32>
    %ge3A_72 = arith.cmpf oge, %broadcast_in_dim3A_69, %ge3A_71 : vector<128x1xf32>
    %select_n3A_73 = arith.select %ge3A_72, %or3A_56, %select_n3A_49 : vector<128x1xi1>, vector<128x1xi32>
    %scan3A_74 = arith.constant 3 : i32
    %sub3A_75 = arith.constant 31 : i32
    %sub3A_76 = arith.subi %sub3A_75, %scan3A_74 : i32
    %shift_left3A_77 = arith.constant 1 : i32
    %shift_left3A_78 = arith.shli %shift_left3A_77, %sub3A_76 : i32
    %or3A_79 = vector.broadcast %shift_left3A_78 : i32 to vector<128x1xi32>
    %or3A_80 = arith.ori %select_n3A_73, %or3A_79 : vector<128x1xi32>
    %xor3A_81 = arith.constant -2147483648 : i32
    %xor3A_82 = vector.broadcast %xor3A_81 : i32 to vector<128x1xi32>
    %xor3A_83 = arith.xori %or3A_80, %xor3A_82 : vector<128x1xi32>
    %ge3A_84 = vector.broadcast %xor3A_83 : vector<128x1xi32> to vector<128x64xi32>
    %ge3A_85 = arith.cmpi sge, %select_n3A, %ge3A_84 : vector<128x64xi32>
    %jit3A_86 = arith.constant 1.000000e+00 : f32
    %jit3A_87 = arith.constant 0.000000e+00 : f32
    %broadcast_in_dim3A_88 = vector.broadcast %jit3A_86 : f32 to vector<128x64xf32>
    %broadcast_in_dim3A_89 = vector.broadcast %jit3A_87 : f32 to vector<128x64xf32>
    %select_n3A_90 = arith.select %ge3A_85, %broadcast_in_dim3A_88, %broadcast_in_dim3A_89 : vector<128x64xi1>, vector<128x64xf32>
    %reduce_sum3A_91 = arith.constant dense<0.000000e+00> : vector<128xf32>
    %reduce_sum3A_92 = vector.multi_reduction <add>, %select_n3A_90, %reduce_sum3A_91 [1] : vector<128x64xf32> to vector<128xf32>
    %broadcast_in_dim3A_93 = vector.shape_cast %reduce_sum3A_92 : vector<128xf32> to vector<128x1xf32>
    %ge3A_94 = arith.constant 3.200000e+01 : f32
    %ge3A_95 = vector.broadcast %ge3A_94 : f32 to vector<128x1xf32>
    %ge3A_96 = arith.cmpf oge, %broadcast_in_dim3A_93, %ge3A_95 : vector<128x1xf32>
    %select_n3A_97 = arith.select %ge3A_96, %or3A_80, %select_n3A_73 : vector<128x1xi1>, vector<128x1xi32>
    %scan3A_98 = arith.constant 4 : i32
    %sub3A_99 = arith.constant 31 : i32
    %sub3A_100 = arith.subi %sub3A_99, %scan3A_98 : i32
    %shift_left3A_101 = arith.constant 1 : i32
    %shift_left3A_102 = arith.shli %shift_left3A_101, %sub3A_100 : i32
    %or3A_103 = vector.broadcast %shift_left3A_102 : i32 to vector<128x1xi32>
    %or3A_104 = arith.ori %select_n3A_97, %or3A_103 : vector<128x1xi32>
    %xor3A_105 = arith.constant -2147483648 : i32
    %xor3A_106 = vector.broadcast %xor3A_105 : i32 to vector<128x1xi32>
    %xor3A_107 = arith.xori %or3A_104, %xor3A_106 : vector<128x1xi32>
    %ge3A_108 = vector.broadcast %xor3A_107 : vector<128x1xi32> to vector<128x64xi32>
    %ge3A_109 = arith.cmpi sge, %select_n3A, %ge3A_108 : vector<128x64xi32>
    %jit3A_110 = arith.constant 1.000000e+00 : f32
    %jit3A_111 = arith.constant 0.000000e+00 : f32
    %broadcast_in_dim3A_112 = vector.broadcast %jit3A_110 : f32 to vector<128x64xf32>
    %broadcast_in_dim3A_113 = vector.broadcast %jit3A_111 : f32 to vector<128x64xf32>
    %select_n3A_114 = arith.select %ge3A_109, %broadcast_in_dim3A_112, %broadcast_in_dim3A_113 : vector<128x64xi1>, vector<128x64xf32>
    %reduce_sum3A_115 = arith.constant dense<0.000000e+00> : vector<128xf32>
    %reduce_sum3A_116 = vector.multi_reduction <add>, %select_n3A_114, %reduce_sum3A_115 [1] : vector<128x64xf32> to vector<128xf32>
    %broadcast_in_dim3A_117 = vector.shape_cast %reduce_sum3A_116 : vector<128xf32> to vector<128x1xf32>
    %ge3A_118 = arith.constant 3.200000e+01 : f32
    %ge3A_119 = vector.broadcast %ge3A_118 : f32 to vector<128x1xf32>
    %ge3A_120 = arith.cmpf oge, %broadcast_in_dim3A_117, %ge3A_119 : vector<128x1xf32>
    %select_n3A_121 = arith.select %ge3A_120, %or3A_104, %select_n3A_97 : vector<128x1xi1>, vector<128x1xi32>
    %scan3A_122 = arith.constant 5 : i32
    %sub3A_123 = arith.constant 31 : i32
    %sub3A_124 = arith.subi %sub3A_123, %scan3A_122 : i32
    %shift_left3A_125 = arith.constant 1 : i32
    %shift_left3A_126 = arith.shli %shift_left3A_125, %sub3A_124 : i32
    %or3A_127 = vector.broadcast %shift_left3A_126 : i32 to vector<128x1xi32>
    %or3A_128 = arith.ori %select_n3A_121, %or3A_127 : vector<128x1xi32>
    %xor3A_129 = arith.constant -2147483648 : i32
    %xor3A_130 = vector.broadcast %xor3A_129 : i32 to vector<128x1xi32>
    %xor3A_131 = arith.xori %or3A_128, %xor3A_130 : vector<128x1xi32>
    %ge3A_132 = vector.broadcast %xor3A_131 : vector<128x1xi32> to vector<128x64xi32>
    %ge3A_133 = arith.cmpi sge, %select_n3A, %ge3A_132 : vector<128x64xi32>
    %jit3A_134 = arith.constant 1.000000e+00 : f32
    %jit3A_135 = arith.constant 0.000000e+00 : f32
    %broadcast_in_dim3A_136 = vector.broadcast %jit3A_134 : f32 to vector<128x64xf32>
    %broadcast_in_dim3A_137 = vector.broadcast %jit3A_135 : f32 to vector<128x64xf32>
    %select_n3A_138 = arith.select %ge3A_133, %broadcast_in_dim3A_136, %broadcast_in_dim3A_137 : vector<128x64xi1>, vector<128x64xf32>
    %reduce_sum3A_139 = arith.constant dense<0.000000e+00> : vector<128xf32>
    %reduce_sum3A_140 = vector.multi_reduction <add>, %select_n3A_138, %reduce_sum3A_139 [1] : vector<128x64xf32> to vector<128xf32>
    %broadcast_in_dim3A_141 = vector.shape_cast %reduce_sum3A_140 : vector<128xf32> to vector<128x1xf32>
    %ge3A_142 = arith.constant 3.200000e+01 : f32
    %ge3A_143 = vector.broadcast %ge3A_142 : f32 to vector<128x1xf32>
    %ge3A_144 = arith.cmpf oge, %broadcast_in_dim3A_141, %ge3A_143 : vector<128x1xf32>
    %select_n3A_145 = arith.select %ge3A_144, %or3A_128, %select_n3A_121 : vector<128x1xi1>, vector<128x1xi32>
    %scan3A_146 = arith.constant 6 : i32
    %sub3A_147 = arith.constant 31 : i32
    %sub3A_148 = arith.subi %sub3A_147, %scan3A_146 : i32
    %shift_left3A_149 = arith.constant 1 : i32
    %shift_left3A_150 = arith.shli %shift_left3A_149, %sub3A_148 : i32
    %or3A_151 = vector.broadcast %shift_left3A_150 : i32 to vector<128x1xi32>
    %or3A_152 = arith.ori %select_n3A_145, %or3A_151 : vector<128x1xi32>
    %xor3A_153 = arith.constant -2147483648 : i32
    %xor3A_154 = vector.broadcast %xor3A_153 : i32 to vector<128x1xi32>
    %xor3A_155 = arith.xori %or3A_152, %xor3A_154 : vector<128x1xi32>
    %ge3A_156 = vector.broadcast %xor3A_155 : vector<128x1xi32> to vector<128x64xi32>
    %ge3A_157 = arith.cmpi sge, %select_n3A, %ge3A_156 : vector<128x64xi32>
    %jit3A_158 = arith.constant 1.000000e+00 : f32
    %jit3A_159 = arith.constant 0.000000e+00 : f32
    %broadcast_in_dim3A_160 = vector.broadcast %jit3A_158 : f32 to vector<128x64xf32>
    %broadcast_in_dim3A_161 = vector.broadcast %jit3A_159 : f32 to vector<128x64xf32>
    %select_n3A_162 = arith.select %ge3A_157, %broadcast_in_dim3A_160, %broadcast_in_dim3A_161 : vector<128x64xi1>, vector<128x64xf32>
    %reduce_sum3A_163 = arith.constant dense<0.000000e+00> : vector<128xf32>
    %reduce_sum3A_164 = vector.multi_reduction <add>, %select_n3A_162, %reduce_sum3A_163 [1] : vector<128x64xf32> to vector<128xf32>
    %broadcast_in_dim3A_165 = vector.shape_cast %reduce_sum3A_164 : vector<128xf32> to vector<128x1xf32>
    %ge3A_166 = arith.constant 3.200000e+01 : f32
    %ge3A_167 = vector.broadcast %ge3A_166 : f32 to vector<128x1xf32>
    %ge3A_168 = arith.cmpf oge, %broadcast_in_dim3A_165, %ge3A_167 : vector<128x1xf32>
    %select_n3A_169 = arith.select %ge3A_168, %or3A_152, %select_n3A_145 : vector<128x1xi1>, vector<128x1xi32>
    %scan3A_170 = arith.constant 7 : i32
    %sub3A_171 = arith.constant 31 : i32
    %sub3A_172 = arith.subi %sub3A_171, %scan3A_170 : i32
    %shift_left3A_173 = arith.constant 1 : i32
    %shift_left3A_174 = arith.shli %shift_left3A_173, %sub3A_172 : i32
    %or3A_175 = vector.broadcast %shift_left3A_174 : i32 to vector<128x1xi32>
    %or3A_176 = arith.ori %select_n3A_169, %or3A_175 : vector<128x1xi32>
    %xor3A_177 = arith.constant -2147483648 : i32
    %xor3A_178 = vector.broadcast %xor3A_177 : i32 to vector<128x1xi32>
    %xor3A_179 = arith.xori %or3A_176, %xor3A_178 : vector<128x1xi32>
    %ge3A_180 = vector.broadcast %xor3A_179 : vector<128x1xi32> to vector<128x64xi32>
    %ge3A_181 = arith.cmpi sge, %select_n3A, %ge3A_180 : vector<128x64xi32>
    %jit3A_182 = arith.constant 1.000000e+00 : f32
    %jit3A_183 = arith.constant 0.000000e+00 : f32
    %broadcast_in_dim3A_184 = vector.broadcast %jit3A_182 : f32 to vector<128x64xf32>
    %broadcast_in_dim3A_185 = vector.broadcast %jit3A_183 : f32 to vector<128x64xf32>
    %select_n3A_186 = arith.select %ge3A_181, %broadcast_in_dim3A_184, %broadcast_in_dim3A_185 : vector<128x64xi1>, vector<128x64xf32>
    %reduce_sum3A_187 = arith.constant dense<0.000000e+00> : vector<128xf32>
    %reduce_sum3A_188 = vector.multi_reduction <add>, %select_n3A_186, %reduce_sum3A_187 [1] : vector<128x64xf32> to vector<128xf32>
    %broadcast_in_dim3A_189 = vector.shape_cast %reduce_sum3A_188 : vector<128xf32> to vector<128x1xf32>
    %ge3A_190 = arith.constant 3.200000e+01 : f32
    %ge3A_191 = vector.broadcast %ge3A_190 : f32 to vector<128x1xf32>
    %ge3A_192 = arith.cmpf oge, %broadcast_in_dim3A_189, %ge3A_191 : vector<128x1xf32>
    %select_n3A_193 = arith.select %ge3A_192, %or3A_176, %select_n3A_169 : vector<128x1xi1>, vector<128x1xi32>
    %scan3A_194 = arith.constant 8 : i32
    %sub3A_195 = arith.constant 31 : i32
    %sub3A_196 = arith.subi %sub3A_195, %scan3A_194 : i32
    %shift_left3A_197 = arith.constant 1 : i32
    %shift_left3A_198 = arith.shli %shift_left3A_197, %sub3A_196 : i32
    %or3A_199 = vector.broadcast %shift_left3A_198 : i32 to vector<128x1xi32>
    %or3A_200 = arith.ori %select_n3A_193, %or3A_199 : vector<128x1xi32>
    %xor3A_201 = arith.constant -2147483648 : i32
    %xor3A_202 = vector.broadcast %xor3A_201 : i32 to vector<128x1xi32>
    %xor3A_203 = arith.xori %or3A_200, %xor3A_202 : vector<128x1xi32>
    %ge3A_204 = vector.broadcast %xor3A_203 : vector<128x1xi32> to vector<128x64xi32>
    %ge3A_205 = arith.cmpi sge, %select_n3A, %ge3A_204 : vector<128x64xi32>
    %jit3A_206 = arith.constant 1.000000e+00 : f32
    %jit3A_207 = arith.constant 0.000000e+00 : f32
    %broadcast_in_dim3A_208 = vector.broadcast %jit3A_206 : f32 to vector<128x64xf32>
    %broadcast_in_dim3A_209 = vector.broadcast %jit3A_207 : f32 to vector<128x64xf32>
    %select_n3A_210 = arith.select %ge3A_205, %broadcast_in_dim3A_208, %broadcast_in_dim3A_209 : vector<128x64xi1>, vector<128x64xf32>
    %reduce_sum3A_211 = arith.constant dense<0.000000e+00> : vector<128xf32>
    %reduce_sum3A_212 = vector.multi_reduction <add>, %select_n3A_210, %reduce_sum3A_211 [1] : vector<128x64xf32> to vector<128xf32>
    %broadcast_in_dim3A_213 = vector.shape_cast %reduce_sum3A_212 : vector<128xf32> to vector<128x1xf32>
    %ge3A_214 = arith.constant 3.200000e+01 : f32
    %ge3A_215 = vector.broadcast %ge3A_214 : f32 to vector<128x1xf32>
    %ge3A_216 = arith.cmpf oge, %broadcast_in_dim3A_213, %ge3A_215 : vector<128x1xf32>
    %select_n3A_217 = arith.select %ge3A_216, %or3A_200, %select_n3A_193 : vector<128x1xi1>, vector<128x1xi32>
    %scan3A_218 = arith.constant 9 : i32
    %sub3A_219 = arith.constant 31 : i32
    %sub3A_220 = arith.subi %sub3A_219, %scan3A_218 : i32
    %shift_left3A_221 = arith.constant 1 : i32
    %shift_left3A_222 = arith.shli %shift_left3A_221, %sub3A_220 : i32
    %or3A_223 = vector.broadcast %shift_left3A_222 : i32 to vector<128x1xi32>
    %or3A_224 = arith.ori %select_n3A_217, %or3A_223 : vector<128x1xi32>
    %xor3A_225 = arith.constant -2147483648 : i32
    %xor3A_226 = vector.broadcast %xor3A_225 : i32 to vector<128x1xi32>
    %xor3A_227 = arith.xori %or3A_224, %xor3A_226 : vector<128x1xi32>
    %ge3A_228 = vector.broadcast %xor3A_227 : vector<128x1xi32> to vector<128x64xi32>
    %ge3A_229 = arith.cmpi sge, %select_n3A, %ge3A_228 : vector<128x64xi32>
    %jit3A_230 = arith.constant 1.000000e+00 : f32
    %jit3A_231 = arith.constant 0.000000e+00 : f32
    %broadcast_in_dim3A_232 = vector.broadcast %jit3A_230 : f32 to vector<128x64xf32>
    %broadcast_in_dim3A_233 = vector.broadcast %jit3A_231 : f32 to vector<128x64xf32>
    %select_n3A_234 = arith.select %ge3A_229, %broadcast_in_dim3A_232, %broadcast_in_dim3A_233 : vector<128x64xi1>, vector<128x64xf32>
    %reduce_sum3A_235 = arith.constant dense<0.000000e+00> : vector<128xf32>
    %reduce_sum3A_236 = vector.multi_reduction <add>, %select_n3A_234, %reduce_sum3A_235 [1] : vector<128x64xf32> to vector<128xf32>
    %broadcast_in_dim3A_237 = vector.shape_cast %reduce_sum3A_236 : vector<128xf32> to vector<128x1xf32>
    %ge3A_238 = arith.constant 3.200000e+01 : f32
    %ge3A_239 = vector.broadcast %ge3A_238 : f32 to vector<128x1xf32>
    %ge3A_240 = arith.cmpf oge, %broadcast_in_dim3A_237, %ge3A_239 : vector<128x1xf32>
    %select_n3A_241 = arith.select %ge3A_240, %or3A_224, %select_n3A_217 : vector<128x1xi1>, vector<128x1xi32>
    %scan3A_242 = arith.constant 10 : i32
    %sub3A_243 = arith.constant 31 : i32
    %sub3A_244 = arith.subi %sub3A_243, %scan3A_242 : i32
    %shift_left3A_245 = arith.constant 1 : i32
    %shift_left3A_246 = arith.shli %shift_left3A_245, %sub3A_244 : i32
    %or3A_247 = vector.broadcast %shift_left3A_246 : i32 to vector<128x1xi32>
    %or3A_248 = arith.ori %select_n3A_241, %or3A_247 : vector<128x1xi32>
    %xor3A_249 = arith.constant -2147483648 : i32
    %xor3A_250 = vector.broadcast %xor3A_249 : i32 to vector<128x1xi32>
    %xor3A_251 = arith.xori %or3A_248, %xor3A_250 : vector<128x1xi32>
    %ge3A_252 = vector.broadcast %xor3A_251 : vector<128x1xi32> to vector<128x64xi32>
    %ge3A_253 = arith.cmpi sge, %select_n3A, %ge3A_252 : vector<128x64xi32>
    %jit3A_254 = arith.constant 1.000000e+00 : f32
    %jit3A_255 = arith.constant 0.000000e+00 : f32
    %broadcast_in_dim3A_256 = vector.broadcast %jit3A_254 : f32 to vector<128x64xf32>
    %broadcast_in_dim3A_257 = vector.broadcast %jit3A_255 : f32 to vector<128x64xf32>
    %select_n3A_258 = arith.select %ge3A_253, %broadcast_in_dim3A_256, %broadcast_in_dim3A_257 : vector<128x64xi1>, vector<128x64xf32>
    %reduce_sum3A_259 = arith.constant dense<0.000000e+00> : vector<128xf32>
    %reduce_sum3A_260 = vector.multi_reduction <add>, %select_n3A_258, %reduce_sum3A_259 [1] : vector<128x64xf32> to vector<128xf32>
    %broadcast_in_dim3A_261 = vector.shape_cast %reduce_sum3A_260 : vector<128xf32> to vector<128x1xf32>
    %ge3A_262 = arith.constant 3.200000e+01 : f32
    %ge3A_263 = vector.broadcast %ge3A_262 : f32 to vector<128x1xf32>
    %ge3A_264 = arith.cmpf oge, %broadcast_in_dim3A_261, %ge3A_263 : vector<128x1xf32>
    %select_n3A_265 = arith.select %ge3A_264, %or3A_248, %select_n3A_241 : vector<128x1xi1>, vector<128x1xi32>
    %scan3A_266 = arith.constant 11 : i32
    %sub3A_267 = arith.constant 31 : i32
    %sub3A_268 = arith.subi %sub3A_267, %scan3A_266 : i32
    %shift_left3A_269 = arith.constant 1 : i32
    %shift_left3A_270 = arith.shli %shift_left3A_269, %sub3A_268 : i32
    %or3A_271 = vector.broadcast %shift_left3A_270 : i32 to vector<128x1xi32>
    %or3A_272 = arith.ori %select_n3A_265, %or3A_271 : vector<128x1xi32>
    %xor3A_273 = arith.constant -2147483648 : i32
    %xor3A_274 = vector.broadcast %xor3A_273 : i32 to vector<128x1xi32>
    %xor3A_275 = arith.xori %or3A_272, %xor3A_274 : vector<128x1xi32>
    %ge3A_276 = vector.broadcast %xor3A_275 : vector<128x1xi32> to vector<128x64xi32>
    %ge3A_277 = arith.cmpi sge, %select_n3A, %ge3A_276 : vector<128x64xi32>
    %jit3A_278 = arith.constant 1.000000e+00 : f32
    %jit3A_279 = arith.constant 0.000000e+00 : f32
    %broadcast_in_dim3A_280 = vector.broadcast %jit3A_278 : f32 to vector<128x64xf32>
    %broadcast_in_dim3A_281 = vector.broadcast %jit3A_279 : f32 to vector<128x64xf32>
    %select_n3A_282 = arith.select %ge3A_277, %broadcast_in_dim3A_280, %broadcast_in_dim3A_281 : vector<128x64xi1>, vector<128x64xf32>
    %reduce_sum3A_283 = arith.constant dense<0.000000e+00> : vector<128xf32>
    %reduce_sum3A_284 = vector.multi_reduction <add>, %select_n3A_282, %reduce_sum3A_283 [1] : vector<128x64xf32> to vector<128xf32>
    %broadcast_in_dim3A_285 = vector.shape_cast %reduce_sum3A_284 : vector<128xf32> to vector<128x1xf32>
    %ge3A_286 = arith.constant 3.200000e+01 : f32
    %ge3A_287 = vector.broadcast %ge3A_286 : f32 to vector<128x1xf32>
    %ge3A_288 = arith.cmpf oge, %broadcast_in_dim3A_285, %ge3A_287 : vector<128x1xf32>
    %select_n3A_289 = arith.select %ge3A_288, %or3A_272, %select_n3A_265 : vector<128x1xi1>, vector<128x1xi32>
    %scan3A_290 = arith.constant 12 : i32
    %sub3A_291 = arith.constant 31 : i32
    %sub3A_292 = arith.subi %sub3A_291, %scan3A_290 : i32
    %shift_left3A_293 = arith.constant 1 : i32
    %shift_left3A_294 = arith.shli %shift_left3A_293, %sub3A_292 : i32
    %or3A_295 = vector.broadcast %shift_left3A_294 : i32 to vector<128x1xi32>
    %or3A_296 = arith.ori %select_n3A_289, %or3A_295 : vector<128x1xi32>
    %xor3A_297 = arith.constant -2147483648 : i32
    %xor3A_298 = vector.broadcast %xor3A_297 : i32 to vector<128x1xi32>
    %xor3A_299 = arith.xori %or3A_296, %xor3A_298 : vector<128x1xi32>
    %ge3A_300 = vector.broadcast %xor3A_299 : vector<128x1xi32> to vector<128x64xi32>
    %ge3A_301 = arith.cmpi sge, %select_n3A, %ge3A_300 : vector<128x64xi32>
    %jit3A_302 = arith.constant 1.000000e+00 : f32
    %jit3A_303 = arith.constant 0.000000e+00 : f32
    %broadcast_in_dim3A_304 = vector.broadcast %jit3A_302 : f32 to vector<128x64xf32>
    %broadcast_in_dim3A_305 = vector.broadcast %jit3A_303 : f32 to vector<128x64xf32>
    %select_n3A_306 = arith.select %ge3A_301, %broadcast_in_dim3A_304, %broadcast_in_dim3A_305 : vector<128x64xi1>, vector<128x64xf32>
    %reduce_sum3A_307 = arith.constant dense<0.000000e+00> : vector<128xf32>
    %reduce_sum3A_308 = vector.multi_reduction <add>, %select_n3A_306, %reduce_sum3A_307 [1] : vector<128x64xf32> to vector<128xf32>
    %broadcast_in_dim3A_309 = vector.shape_cast %reduce_sum3A_308 : vector<128xf32> to vector<128x1xf32>
    %ge3A_310 = arith.constant 3.200000e+01 : f32
    %ge3A_311 = vector.broadcast %ge3A_310 : f32 to vector<128x1xf32>
    %ge3A_312 = arith.cmpf oge, %broadcast_in_dim3A_309, %ge3A_311 : vector<128x1xf32>
    %select_n3A_313 = arith.select %ge3A_312, %or3A_296, %select_n3A_289 : vector<128x1xi1>, vector<128x1xi32>
    %scan3A_314 = arith.constant 13 : i32
    %sub3A_315 = arith.constant 31 : i32
    %sub3A_316 = arith.subi %sub3A_315, %scan3A_314 : i32
    %shift_left3A_317 = arith.constant 1 : i32
    %shift_left3A_318 = arith.shli %shift_left3A_317, %sub3A_316 : i32
    %or3A_319 = vector.broadcast %shift_left3A_318 : i32 to vector<128x1xi32>
    %or3A_320 = arith.ori %select_n3A_313, %or3A_319 : vector<128x1xi32>
    %xor3A_321 = arith.constant -2147483648 : i32
    %xor3A_322 = vector.broadcast %xor3A_321 : i32 to vector<128x1xi32>
    %xor3A_323 = arith.xori %or3A_320, %xor3A_322 : vector<128x1xi32>
    %ge3A_324 = vector.broadcast %xor3A_323 : vector<128x1xi32> to vector<128x64xi32>
    %ge3A_325 = arith.cmpi sge, %select_n3A, %ge3A_324 : vector<128x64xi32>
    %jit3A_326 = arith.constant 1.000000e+00 : f32
    %jit3A_327 = arith.constant 0.000000e+00 : f32
    %broadcast_in_dim3A_328 = vector.broadcast %jit3A_326 : f32 to vector<128x64xf32>
    %broadcast_in_dim3A_329 = vector.broadcast %jit3A_327 : f32 to vector<128x64xf32>
    %select_n3A_330 = arith.select %ge3A_325, %broadcast_in_dim3A_328, %broadcast_in_dim3A_329 : vector<128x64xi1>, vector<128x64xf32>
    %reduce_sum3A_331 = arith.constant dense<0.000000e+00> : vector<128xf32>
    %reduce_sum3A_332 = vector.multi_reduction <add>, %select_n3A_330, %reduce_sum3A_331 [1] : vector<128x64xf32> to vector<128xf32>
    %broadcast_in_dim3A_333 = vector.shape_cast %reduce_sum3A_332 : vector<128xf32> to vector<128x1xf32>
    %ge3A_334 = arith.constant 3.200000e+01 : f32
    %ge3A_335 = vector.broadcast %ge3A_334 : f32 to vector<128x1xf32>
    %ge3A_336 = arith.cmpf oge, %broadcast_in_dim3A_333, %ge3A_335 : vector<128x1xf32>
    %select_n3A_337 = arith.select %ge3A_336, %or3A_320, %select_n3A_313 : vector<128x1xi1>, vector<128x1xi32>
    %scan3A_338 = arith.constant 14 : i32
    %sub3A_339 = arith.constant 31 : i32
    %sub3A_340 = arith.subi %sub3A_339, %scan3A_338 : i32
    %shift_left3A_341 = arith.constant 1 : i32
    %shift_left3A_342 = arith.shli %shift_left3A_341, %sub3A_340 : i32
    %or3A_343 = vector.broadcast %shift_left3A_342 : i32 to vector<128x1xi32>
    %or3A_344 = arith.ori %select_n3A_337, %or3A_343 : vector<128x1xi32>
    %xor3A_345 = arith.constant -2147483648 : i32
    %xor3A_346 = vector.broadcast %xor3A_345 : i32 to vector<128x1xi32>
    %xor3A_347 = arith.xori %or3A_344, %xor3A_346 : vector<128x1xi32>
    %ge3A_348 = vector.broadcast %xor3A_347 : vector<128x1xi32> to vector<128x64xi32>
    %ge3A_349 = arith.cmpi sge, %select_n3A, %ge3A_348 : vector<128x64xi32>
    %jit3A_350 = arith.constant 1.000000e+00 : f32
    %jit3A_351 = arith.constant 0.000000e+00 : f32
    %broadcast_in_dim3A_352 = vector.broadcast %jit3A_350 : f32 to vector<128x64xf32>
    %broadcast_in_dim3A_353 = vector.broadcast %jit3A_351 : f32 to vector<128x64xf32>
    %select_n3A_354 = arith.select %ge3A_349, %broadcast_in_dim3A_352, %broadcast_in_dim3A_353 : vector<128x64xi1>, vector<128x64xf32>
    %reduce_sum3A_355 = arith.constant dense<0.000000e+00> : vector<128xf32>
    %reduce_sum3A_356 = vector.multi_reduction <add>, %select_n3A_354, %reduce_sum3A_355 [1] : vector<128x64xf32> to vector<128xf32>
    %broadcast_in_dim3A_357 = vector.shape_cast %reduce_sum3A_356 : vector<128xf32> to vector<128x1xf32>
    %ge3A_358 = arith.constant 3.200000e+01 : f32
    %ge3A_359 = vector.broadcast %ge3A_358 : f32 to vector<128x1xf32>
    %ge3A_360 = arith.cmpf oge, %broadcast_in_dim3A_357, %ge3A_359 : vector<128x1xf32>
    %select_n3A_361 = arith.select %ge3A_360, %or3A_344, %select_n3A_337 : vector<128x1xi1>, vector<128x1xi32>
    %scan3A_362 = arith.constant 15 : i32
    %sub3A_363 = arith.constant 31 : i32
    %sub3A_364 = arith.subi %sub3A_363, %scan3A_362 : i32
    %shift_left3A_365 = arith.constant 1 : i32
    %shift_left3A_366 = arith.shli %shift_left3A_365, %sub3A_364 : i32
    %or3A_367 = vector.broadcast %shift_left3A_366 : i32 to vector<128x1xi32>
    %or3A_368 = arith.ori %select_n3A_361, %or3A_367 : vector<128x1xi32>
    %xor3A_369 = arith.constant -2147483648 : i32
    %xor3A_370 = vector.broadcast %xor3A_369 : i32 to vector<128x1xi32>
    %xor3A_371 = arith.xori %or3A_368, %xor3A_370 : vector<128x1xi32>
    %ge3A_372 = vector.broadcast %xor3A_371 : vector<128x1xi32> to vector<128x64xi32>
    %ge3A_373 = arith.cmpi sge, %select_n3A, %ge3A_372 : vector<128x64xi32>
    %jit3A_374 = arith.constant 1.000000e+00 : f32
    %jit3A_375 = arith.constant 0.000000e+00 : f32
    %broadcast_in_dim3A_376 = vector.broadcast %jit3A_374 : f32 to vector<128x64xf32>
    %broadcast_in_dim3A_377 = vector.broadcast %jit3A_375 : f32 to vector<128x64xf32>
    %select_n3A_378 = arith.select %ge3A_373, %broadcast_in_dim3A_376, %broadcast_in_dim3A_377 : vector<128x64xi1>, vector<128x64xf32>
    %reduce_sum3A_379 = arith.constant dense<0.000000e+00> : vector<128xf32>
    %reduce_sum3A_380 = vector.multi_reduction <add>, %select_n3A_378, %reduce_sum3A_379 [1] : vector<128x64xf32> to vector<128xf32>
    %broadcast_in_dim3A_381 = vector.shape_cast %reduce_sum3A_380 : vector<128xf32> to vector<128x1xf32>
    %ge3A_382 = arith.constant 3.200000e+01 : f32
    %ge3A_383 = vector.broadcast %ge3A_382 : f32 to vector<128x1xf32>
    %ge3A_384 = arith.cmpf oge, %broadcast_in_dim3A_381, %ge3A_383 : vector<128x1xf32>
    %select_n3A_385 = arith.select %ge3A_384, %or3A_368, %select_n3A_361 : vector<128x1xi1>, vector<128x1xi32>
    %scan3A_386 = arith.constant 16 : i32
    %sub3A_387 = arith.constant 31 : i32
    %sub3A_388 = arith.subi %sub3A_387, %scan3A_386 : i32
    %shift_left3A_389 = arith.constant 1 : i32
    %shift_left3A_390 = arith.shli %shift_left3A_389, %sub3A_388 : i32
    %or3A_391 = vector.broadcast %shift_left3A_390 : i32 to vector<128x1xi32>
    %or3A_392 = arith.ori %select_n3A_385, %or3A_391 : vector<128x1xi32>
    %xor3A_393 = arith.constant -2147483648 : i32
    %xor3A_394 = vector.broadcast %xor3A_393 : i32 to vector<128x1xi32>
    %xor3A_395 = arith.xori %or3A_392, %xor3A_394 : vector<128x1xi32>
    %ge3A_396 = vector.broadcast %xor3A_395 : vector<128x1xi32> to vector<128x64xi32>
    %ge3A_397 = arith.cmpi sge, %select_n3A, %ge3A_396 : vector<128x64xi32>
    %jit3A_398 = arith.constant 1.000000e+00 : f32
    %jit3A_399 = arith.constant 0.000000e+00 : f32
    %broadcast_in_dim3A_400 = vector.broadcast %jit3A_398 : f32 to vector<128x64xf32>
    %broadcast_in_dim3A_401 = vector.broadcast %jit3A_399 : f32 to vector<128x64xf32>
    %select_n3A_402 = arith.select %ge3A_397, %broadcast_in_dim3A_400, %broadcast_in_dim3A_401 : vector<128x64xi1>, vector<128x64xf32>
    %reduce_sum3A_403 = arith.constant dense<0.000000e+00> : vector<128xf32>
    %reduce_sum3A_404 = vector.multi_reduction <add>, %select_n3A_402, %reduce_sum3A_403 [1] : vector<128x64xf32> to vector<128xf32>
    %broadcast_in_dim3A_405 = vector.shape_cast %reduce_sum3A_404 : vector<128xf32> to vector<128x1xf32>
    %ge3A_406 = arith.constant 3.200000e+01 : f32
    %ge3A_407 = vector.broadcast %ge3A_406 : f32 to vector<128x1xf32>
    %ge3A_408 = arith.cmpf oge, %broadcast_in_dim3A_405, %ge3A_407 : vector<128x1xf32>
    %select_n3A_409 = arith.select %ge3A_408, %or3A_392, %select_n3A_385 : vector<128x1xi1>, vector<128x1xi32>
    %scan3A_410 = arith.constant 17 : i32
    %sub3A_411 = arith.constant 31 : i32
    %sub3A_412 = arith.subi %sub3A_411, %scan3A_410 : i32
    %shift_left3A_413 = arith.constant 1 : i32
    %shift_left3A_414 = arith.shli %shift_left3A_413, %sub3A_412 : i32
    %or3A_415 = vector.broadcast %shift_left3A_414 : i32 to vector<128x1xi32>
    %or3A_416 = arith.ori %select_n3A_409, %or3A_415 : vector<128x1xi32>
    %xor3A_417 = arith.constant -2147483648 : i32
    %xor3A_418 = vector.broadcast %xor3A_417 : i32 to vector<128x1xi32>
    %xor3A_419 = arith.xori %or3A_416, %xor3A_418 : vector<128x1xi32>
    %ge3A_420 = vector.broadcast %xor3A_419 : vector<128x1xi32> to vector<128x64xi32>
    %ge3A_421 = arith.cmpi sge, %select_n3A, %ge3A_420 : vector<128x64xi32>
    %jit3A_422 = arith.constant 1.000000e+00 : f32
    %jit3A_423 = arith.constant 0.000000e+00 : f32
    %broadcast_in_dim3A_424 = vector.broadcast %jit3A_422 : f32 to vector<128x64xf32>
    %broadcast_in_dim3A_425 = vector.broadcast %jit3A_423 : f32 to vector<128x64xf32>
    %select_n3A_426 = arith.select %ge3A_421, %broadcast_in_dim3A_424, %broadcast_in_dim3A_425 : vector<128x64xi1>, vector<128x64xf32>
    %reduce_sum3A_427 = arith.constant dense<0.000000e+00> : vector<128xf32>
    %reduce_sum3A_428 = vector.multi_reduction <add>, %select_n3A_426, %reduce_sum3A_427 [1] : vector<128x64xf32> to vector<128xf32>
    %broadcast_in_dim3A_429 = vector.shape_cast %reduce_sum3A_428 : vector<128xf32> to vector<128x1xf32>
    %ge3A_430 = arith.constant 3.200000e+01 : f32
    %ge3A_431 = vector.broadcast %ge3A_430 : f32 to vector<128x1xf32>
    %ge3A_432 = arith.cmpf oge, %broadcast_in_dim3A_429, %ge3A_431 : vector<128x1xf32>
    %select_n3A_433 = arith.select %ge3A_432, %or3A_416, %select_n3A_409 : vector<128x1xi1>, vector<128x1xi32>
    %scan3A_434 = arith.constant 18 : i32
    %sub3A_435 = arith.constant 31 : i32
    %sub3A_436 = arith.subi %sub3A_435, %scan3A_434 : i32
    %shift_left3A_437 = arith.constant 1 : i32
    %shift_left3A_438 = arith.shli %shift_left3A_437, %sub3A_436 : i32
    %or3A_439 = vector.broadcast %shift_left3A_438 : i32 to vector<128x1xi32>
    %or3A_440 = arith.ori %select_n3A_433, %or3A_439 : vector<128x1xi32>
    %xor3A_441 = arith.constant -2147483648 : i32
    %xor3A_442 = vector.broadcast %xor3A_441 : i32 to vector<128x1xi32>
    %xor3A_443 = arith.xori %or3A_440, %xor3A_442 : vector<128x1xi32>
    %ge3A_444 = vector.broadcast %xor3A_443 : vector<128x1xi32> to vector<128x64xi32>
    %ge3A_445 = arith.cmpi sge, %select_n3A, %ge3A_444 : vector<128x64xi32>
    %jit3A_446 = arith.constant 1.000000e+00 : f32
    %jit3A_447 = arith.constant 0.000000e+00 : f32
    %broadcast_in_dim3A_448 = vector.broadcast %jit3A_446 : f32 to vector<128x64xf32>
    %broadcast_in_dim3A_449 = vector.broadcast %jit3A_447 : f32 to vector<128x64xf32>
    %select_n3A_450 = arith.select %ge3A_445, %broadcast_in_dim3A_448, %broadcast_in_dim3A_449 : vector<128x64xi1>, vector<128x64xf32>
    %reduce_sum3A_451 = arith.constant dense<0.000000e+00> : vector<128xf32>
    %reduce_sum3A_452 = vector.multi_reduction <add>, %select_n3A_450, %reduce_sum3A_451 [1] : vector<128x64xf32> to vector<128xf32>
    %broadcast_in_dim3A_453 = vector.shape_cast %reduce_sum3A_452 : vector<128xf32> to vector<128x1xf32>
    %ge3A_454 = arith.constant 3.200000e+01 : f32
    %ge3A_455 = vector.broadcast %ge3A_454 : f32 to vector<128x1xf32>
    %ge3A_456 = arith.cmpf oge, %broadcast_in_dim3A_453, %ge3A_455 : vector<128x1xf32>
    %select_n3A_457 = arith.select %ge3A_456, %or3A_440, %select_n3A_433 : vector<128x1xi1>, vector<128x1xi32>
    %scan3A_458 = arith.constant 19 : i32
    %sub3A_459 = arith.constant 31 : i32
    %sub3A_460 = arith.subi %sub3A_459, %scan3A_458 : i32
    %shift_left3A_461 = arith.constant 1 : i32
    %shift_left3A_462 = arith.shli %shift_left3A_461, %sub3A_460 : i32
    %or3A_463 = vector.broadcast %shift_left3A_462 : i32 to vector<128x1xi32>
    %or3A_464 = arith.ori %select_n3A_457, %or3A_463 : vector<128x1xi32>
    %xor3A_465 = arith.constant -2147483648 : i32
    %xor3A_466 = vector.broadcast %xor3A_465 : i32 to vector<128x1xi32>
    %xor3A_467 = arith.xori %or3A_464, %xor3A_466 : vector<128x1xi32>
    %ge3A_468 = vector.broadcast %xor3A_467 : vector<128x1xi32> to vector<128x64xi32>
    %ge3A_469 = arith.cmpi sge, %select_n3A, %ge3A_468 : vector<128x64xi32>
    %jit3A_470 = arith.constant 1.000000e+00 : f32
    %jit3A_471 = arith.constant 0.000000e+00 : f32
    %broadcast_in_dim3A_472 = vector.broadcast %jit3A_470 : f32 to vector<128x64xf32>
    %broadcast_in_dim3A_473 = vector.broadcast %jit3A_471 : f32 to vector<128x64xf32>
    %select_n3A_474 = arith.select %ge3A_469, %broadcast_in_dim3A_472, %broadcast_in_dim3A_473 : vector<128x64xi1>, vector<128x64xf32>
    %reduce_sum3A_475 = arith.constant dense<0.000000e+00> : vector<128xf32>
    %reduce_sum3A_476 = vector.multi_reduction <add>, %select_n3A_474, %reduce_sum3A_475 [1] : vector<128x64xf32> to vector<128xf32>
    %broadcast_in_dim3A_477 = vector.shape_cast %reduce_sum3A_476 : vector<128xf32> to vector<128x1xf32>
    %ge3A_478 = arith.constant 3.200000e+01 : f32
    %ge3A_479 = vector.broadcast %ge3A_478 : f32 to vector<128x1xf32>
    %ge3A_480 = arith.cmpf oge, %broadcast_in_dim3A_477, %ge3A_479 : vector<128x1xf32>
    %select_n3A_481 = arith.select %ge3A_480, %or3A_464, %select_n3A_457 : vector<128x1xi1>, vector<128x1xi32>
    %scan3A_482 = arith.constant 20 : i32
    %sub3A_483 = arith.constant 31 : i32
    %sub3A_484 = arith.subi %sub3A_483, %scan3A_482 : i32
    %shift_left3A_485 = arith.constant 1 : i32
    %shift_left3A_486 = arith.shli %shift_left3A_485, %sub3A_484 : i32
    %or3A_487 = vector.broadcast %shift_left3A_486 : i32 to vector<128x1xi32>
    %or3A_488 = arith.ori %select_n3A_481, %or3A_487 : vector<128x1xi32>
    %xor3A_489 = arith.constant -2147483648 : i32
    %xor3A_490 = vector.broadcast %xor3A_489 : i32 to vector<128x1xi32>
    %xor3A_491 = arith.xori %or3A_488, %xor3A_490 : vector<128x1xi32>
    %ge3A_492 = vector.broadcast %xor3A_491 : vector<128x1xi32> to vector<128x64xi32>
    %ge3A_493 = arith.cmpi sge, %select_n3A, %ge3A_492 : vector<128x64xi32>
    %jit3A_494 = arith.constant 1.000000e+00 : f32
    %jit3A_495 = arith.constant 0.000000e+00 : f32
    %broadcast_in_dim3A_496 = vector.broadcast %jit3A_494 : f32 to vector<128x64xf32>
    %broadcast_in_dim3A_497 = vector.broadcast %jit3A_495 : f32 to vector<128x64xf32>
    %select_n3A_498 = arith.select %ge3A_493, %broadcast_in_dim3A_496, %broadcast_in_dim3A_497 : vector<128x64xi1>, vector<128x64xf32>
    %reduce_sum3A_499 = arith.constant dense<0.000000e+00> : vector<128xf32>
    %reduce_sum3A_500 = vector.multi_reduction <add>, %select_n3A_498, %reduce_sum3A_499 [1] : vector<128x64xf32> to vector<128xf32>
    %broadcast_in_dim3A_501 = vector.shape_cast %reduce_sum3A_500 : vector<128xf32> to vector<128x1xf32>
    %ge3A_502 = arith.constant 3.200000e+01 : f32
    %ge3A_503 = vector.broadcast %ge3A_502 : f32 to vector<128x1xf32>
    %ge3A_504 = arith.cmpf oge, %broadcast_in_dim3A_501, %ge3A_503 : vector<128x1xf32>
    %select_n3A_505 = arith.select %ge3A_504, %or3A_488, %select_n3A_481 : vector<128x1xi1>, vector<128x1xi32>
    %scan3A_506 = arith.constant 21 : i32
    %sub3A_507 = arith.constant 31 : i32
    %sub3A_508 = arith.subi %sub3A_507, %scan3A_506 : i32
    %shift_left3A_509 = arith.constant 1 : i32
    %shift_left3A_510 = arith.shli %shift_left3A_509, %sub3A_508 : i32
    %or3A_511 = vector.broadcast %shift_left3A_510 : i32 to vector<128x1xi32>
    %or3A_512 = arith.ori %select_n3A_505, %or3A_511 : vector<128x1xi32>
    %xor3A_513 = arith.constant -2147483648 : i32
    %xor3A_514 = vector.broadcast %xor3A_513 : i32 to vector<128x1xi32>
    %xor3A_515 = arith.xori %or3A_512, %xor3A_514 : vector<128x1xi32>
    %ge3A_516 = vector.broadcast %xor3A_515 : vector<128x1xi32> to vector<128x64xi32>
    %ge3A_517 = arith.cmpi sge, %select_n3A, %ge3A_516 : vector<128x64xi32>
    %jit3A_518 = arith.constant 1.000000e+00 : f32
    %jit3A_519 = arith.constant 0.000000e+00 : f32
    %broadcast_in_dim3A_520 = vector.broadcast %jit3A_518 : f32 to vector<128x64xf32>
    %broadcast_in_dim3A_521 = vector.broadcast %jit3A_519 : f32 to vector<128x64xf32>
    %select_n3A_522 = arith.select %ge3A_517, %broadcast_in_dim3A_520, %broadcast_in_dim3A_521 : vector<128x64xi1>, vector<128x64xf32>
    %reduce_sum3A_523 = arith.constant dense<0.000000e+00> : vector<128xf32>
    %reduce_sum3A_524 = vector.multi_reduction <add>, %select_n3A_522, %reduce_sum3A_523 [1] : vector<128x64xf32> to vector<128xf32>
    %broadcast_in_dim3A_525 = vector.shape_cast %reduce_sum3A_524 : vector<128xf32> to vector<128x1xf32>
    %ge3A_526 = arith.constant 3.200000e+01 : f32
    %ge3A_527 = vector.broadcast %ge3A_526 : f32 to vector<128x1xf32>
    %ge3A_528 = arith.cmpf oge, %broadcast_in_dim3A_525, %ge3A_527 : vector<128x1xf32>
    %select_n3A_529 = arith.select %ge3A_528, %or3A_512, %select_n3A_505 : vector<128x1xi1>, vector<128x1xi32>
    %scan3A_530 = arith.constant 22 : i32
    %sub3A_531 = arith.constant 31 : i32
    %sub3A_532 = arith.subi %sub3A_531, %scan3A_530 : i32
    %shift_left3A_533 = arith.constant 1 : i32
    %shift_left3A_534 = arith.shli %shift_left3A_533, %sub3A_532 : i32
    %or3A_535 = vector.broadcast %shift_left3A_534 : i32 to vector<128x1xi32>
    %or3A_536 = arith.ori %select_n3A_529, %or3A_535 : vector<128x1xi32>
    %xor3A_537 = arith.constant -2147483648 : i32
    %xor3A_538 = vector.broadcast %xor3A_537 : i32 to vector<128x1xi32>
    %xor3A_539 = arith.xori %or3A_536, %xor3A_538 : vector<128x1xi32>
    %ge3A_540 = vector.broadcast %xor3A_539 : vector<128x1xi32> to vector<128x64xi32>
    %ge3A_541 = arith.cmpi sge, %select_n3A, %ge3A_540 : vector<128x64xi32>
    %jit3A_542 = arith.constant 1.000000e+00 : f32
    %jit3A_543 = arith.constant 0.000000e+00 : f32
    %broadcast_in_dim3A_544 = vector.broadcast %jit3A_542 : f32 to vector<128x64xf32>
    %broadcast_in_dim3A_545 = vector.broadcast %jit3A_543 : f32 to vector<128x64xf32>
    %select_n3A_546 = arith.select %ge3A_541, %broadcast_in_dim3A_544, %broadcast_in_dim3A_545 : vector<128x64xi1>, vector<128x64xf32>
    %reduce_sum3A_547 = arith.constant dense<0.000000e+00> : vector<128xf32>
    %reduce_sum3A_548 = vector.multi_reduction <add>, %select_n3A_546, %reduce_sum3A_547 [1] : vector<128x64xf32> to vector<128xf32>
    %broadcast_in_dim3A_549 = vector.shape_cast %reduce_sum3A_548 : vector<128xf32> to vector<128x1xf32>
    %ge3A_550 = arith.constant 3.200000e+01 : f32
    %ge3A_551 = vector.broadcast %ge3A_550 : f32 to vector<128x1xf32>
    %ge3A_552 = arith.cmpf oge, %broadcast_in_dim3A_549, %ge3A_551 : vector<128x1xf32>
    %select_n3A_553 = arith.select %ge3A_552, %or3A_536, %select_n3A_529 : vector<128x1xi1>, vector<128x1xi32>
    %scan3A_554 = arith.constant 23 : i32
    %sub3A_555 = arith.constant 31 : i32
    %sub3A_556 = arith.subi %sub3A_555, %scan3A_554 : i32
    %shift_left3A_557 = arith.constant 1 : i32
    %shift_left3A_558 = arith.shli %shift_left3A_557, %sub3A_556 : i32
    %or3A_559 = vector.broadcast %shift_left3A_558 : i32 to vector<128x1xi32>
    %or3A_560 = arith.ori %select_n3A_553, %or3A_559 : vector<128x1xi32>
    %xor3A_561 = arith.constant -2147483648 : i32
    %xor3A_562 = vector.broadcast %xor3A_561 : i32 to vector<128x1xi32>
    %xor3A_563 = arith.xori %or3A_560, %xor3A_562 : vector<128x1xi32>
    %ge3A_564 = vector.broadcast %xor3A_563 : vector<128x1xi32> to vector<128x64xi32>
    %ge3A_565 = arith.cmpi sge, %select_n3A, %ge3A_564 : vector<128x64xi32>
    %jit3A_566 = arith.constant 1.000000e+00 : f32
    %jit3A_567 = arith.constant 0.000000e+00 : f32
    %broadcast_in_dim3A_568 = vector.broadcast %jit3A_566 : f32 to vector<128x64xf32>
    %broadcast_in_dim3A_569 = vector.broadcast %jit3A_567 : f32 to vector<128x64xf32>
    %select_n3A_570 = arith.select %ge3A_565, %broadcast_in_dim3A_568, %broadcast_in_dim3A_569 : vector<128x64xi1>, vector<128x64xf32>
    %reduce_sum3A_571 = arith.constant dense<0.000000e+00> : vector<128xf32>
    %reduce_sum3A_572 = vector.multi_reduction <add>, %select_n3A_570, %reduce_sum3A_571 [1] : vector<128x64xf32> to vector<128xf32>
    %broadcast_in_dim3A_573 = vector.shape_cast %reduce_sum3A_572 : vector<128xf32> to vector<128x1xf32>
    %ge3A_574 = arith.constant 3.200000e+01 : f32
    %ge3A_575 = vector.broadcast %ge3A_574 : f32 to vector<128x1xf32>
    %ge3A_576 = arith.cmpf oge, %broadcast_in_dim3A_573, %ge3A_575 : vector<128x1xf32>
    %select_n3A_577 = arith.select %ge3A_576, %or3A_560, %select_n3A_553 : vector<128x1xi1>, vector<128x1xi32>
    %scan3A_578 = arith.constant 24 : i32
    %sub3A_579 = arith.constant 31 : i32
    %sub3A_580 = arith.subi %sub3A_579, %scan3A_578 : i32
    %shift_left3A_581 = arith.constant 1 : i32
    %shift_left3A_582 = arith.shli %shift_left3A_581, %sub3A_580 : i32
    %or3A_583 = vector.broadcast %shift_left3A_582 : i32 to vector<128x1xi32>
    %or3A_584 = arith.ori %select_n3A_577, %or3A_583 : vector<128x1xi32>
    %xor3A_585 = arith.constant -2147483648 : i32
    %xor3A_586 = vector.broadcast %xor3A_585 : i32 to vector<128x1xi32>
    %xor3A_587 = arith.xori %or3A_584, %xor3A_586 : vector<128x1xi32>
    %ge3A_588 = vector.broadcast %xor3A_587 : vector<128x1xi32> to vector<128x64xi32>
    %ge3A_589 = arith.cmpi sge, %select_n3A, %ge3A_588 : vector<128x64xi32>
    %jit3A_590 = arith.constant 1.000000e+00 : f32
    %jit3A_591 = arith.constant 0.000000e+00 : f32
    %broadcast_in_dim3A_592 = vector.broadcast %jit3A_590 : f32 to vector<128x64xf32>
    %broadcast_in_dim3A_593 = vector.broadcast %jit3A_591 : f32 to vector<128x64xf32>
    %select_n3A_594 = arith.select %ge3A_589, %broadcast_in_dim3A_592, %broadcast_in_dim3A_593 : vector<128x64xi1>, vector<128x64xf32>
    %reduce_sum3A_595 = arith.constant dense<0.000000e+00> : vector<128xf32>
    %reduce_sum3A_596 = vector.multi_reduction <add>, %select_n3A_594, %reduce_sum3A_595 [1] : vector<128x64xf32> to vector<128xf32>
    %broadcast_in_dim3A_597 = vector.shape_cast %reduce_sum3A_596 : vector<128xf32> to vector<128x1xf32>
    %ge3A_598 = arith.constant 3.200000e+01 : f32
    %ge3A_599 = vector.broadcast %ge3A_598 : f32 to vector<128x1xf32>
    %ge3A_600 = arith.cmpf oge, %broadcast_in_dim3A_597, %ge3A_599 : vector<128x1xf32>
    %select_n3A_601 = arith.select %ge3A_600, %or3A_584, %select_n3A_577 : vector<128x1xi1>, vector<128x1xi32>
    %scan3A_602 = arith.constant 25 : i32
    %sub3A_603 = arith.constant 31 : i32
    %sub3A_604 = arith.subi %sub3A_603, %scan3A_602 : i32
    %shift_left3A_605 = arith.constant 1 : i32
    %shift_left3A_606 = arith.shli %shift_left3A_605, %sub3A_604 : i32
    %or3A_607 = vector.broadcast %shift_left3A_606 : i32 to vector<128x1xi32>
    %or3A_608 = arith.ori %select_n3A_601, %or3A_607 : vector<128x1xi32>
    %xor3A_609 = arith.constant -2147483648 : i32
    %xor3A_610 = vector.broadcast %xor3A_609 : i32 to vector<128x1xi32>
    %xor3A_611 = arith.xori %or3A_608, %xor3A_610 : vector<128x1xi32>
    %ge3A_612 = vector.broadcast %xor3A_611 : vector<128x1xi32> to vector<128x64xi32>
    %ge3A_613 = arith.cmpi sge, %select_n3A, %ge3A_612 : vector<128x64xi32>
    %jit3A_614 = arith.constant 1.000000e+00 : f32
    %jit3A_615 = arith.constant 0.000000e+00 : f32
    %broadcast_in_dim3A_616 = vector.broadcast %jit3A_614 : f32 to vector<128x64xf32>
    %broadcast_in_dim3A_617 = vector.broadcast %jit3A_615 : f32 to vector<128x64xf32>
    %select_n3A_618 = arith.select %ge3A_613, %broadcast_in_dim3A_616, %broadcast_in_dim3A_617 : vector<128x64xi1>, vector<128x64xf32>
    %reduce_sum3A_619 = arith.constant dense<0.000000e+00> : vector<128xf32>
    %reduce_sum3A_620 = vector.multi_reduction <add>, %select_n3A_618, %reduce_sum3A_619 [1] : vector<128x64xf32> to vector<128xf32>
    %broadcast_in_dim3A_621 = vector.shape_cast %reduce_sum3A_620 : vector<128xf32> to vector<128x1xf32>
    %ge3A_622 = arith.constant 3.200000e+01 : f32
    %ge3A_623 = vector.broadcast %ge3A_622 : f32 to vector<128x1xf32>
    %ge3A_624 = arith.cmpf oge, %broadcast_in_dim3A_621, %ge3A_623 : vector<128x1xf32>
    %select_n3A_625 = arith.select %ge3A_624, %or3A_608, %select_n3A_601 : vector<128x1xi1>, vector<128x1xi32>
    %scan3A_626 = arith.constant 26 : i32
    %sub3A_627 = arith.constant 31 : i32
    %sub3A_628 = arith.subi %sub3A_627, %scan3A_626 : i32
    %shift_left3A_629 = arith.constant 1 : i32
    %shift_left3A_630 = arith.shli %shift_left3A_629, %sub3A_628 : i32
    %or3A_631 = vector.broadcast %shift_left3A_630 : i32 to vector<128x1xi32>
    %or3A_632 = arith.ori %select_n3A_625, %or3A_631 : vector<128x1xi32>
    %xor3A_633 = arith.constant -2147483648 : i32
    %xor3A_634 = vector.broadcast %xor3A_633 : i32 to vector<128x1xi32>
    %xor3A_635 = arith.xori %or3A_632, %xor3A_634 : vector<128x1xi32>
    %ge3A_636 = vector.broadcast %xor3A_635 : vector<128x1xi32> to vector<128x64xi32>
    %ge3A_637 = arith.cmpi sge, %select_n3A, %ge3A_636 : vector<128x64xi32>
    %jit3A_638 = arith.constant 1.000000e+00 : f32
    %jit3A_639 = arith.constant 0.000000e+00 : f32
    %broadcast_in_dim3A_640 = vector.broadcast %jit3A_638 : f32 to vector<128x64xf32>
    %broadcast_in_dim3A_641 = vector.broadcast %jit3A_639 : f32 to vector<128x64xf32>
    %select_n3A_642 = arith.select %ge3A_637, %broadcast_in_dim3A_640, %broadcast_in_dim3A_641 : vector<128x64xi1>, vector<128x64xf32>
    %reduce_sum3A_643 = arith.constant dense<0.000000e+00> : vector<128xf32>
    %reduce_sum3A_644 = vector.multi_reduction <add>, %select_n3A_642, %reduce_sum3A_643 [1] : vector<128x64xf32> to vector<128xf32>
    %broadcast_in_dim3A_645 = vector.shape_cast %reduce_sum3A_644 : vector<128xf32> to vector<128x1xf32>
    %ge3A_646 = arith.constant 3.200000e+01 : f32
    %ge3A_647 = vector.broadcast %ge3A_646 : f32 to vector<128x1xf32>
    %ge3A_648 = arith.cmpf oge, %broadcast_in_dim3A_645, %ge3A_647 : vector<128x1xf32>
    %select_n3A_649 = arith.select %ge3A_648, %or3A_632, %select_n3A_625 : vector<128x1xi1>, vector<128x1xi32>
    %scan3A_650 = arith.constant 27 : i32
    %sub3A_651 = arith.constant 31 : i32
    %sub3A_652 = arith.subi %sub3A_651, %scan3A_650 : i32
    %shift_left3A_653 = arith.constant 1 : i32
    %shift_left3A_654 = arith.shli %shift_left3A_653, %sub3A_652 : i32
    %or3A_655 = vector.broadcast %shift_left3A_654 : i32 to vector<128x1xi32>
    %or3A_656 = arith.ori %select_n3A_649, %or3A_655 : vector<128x1xi32>
    %xor3A_657 = arith.constant -2147483648 : i32
    %xor3A_658 = vector.broadcast %xor3A_657 : i32 to vector<128x1xi32>
    %xor3A_659 = arith.xori %or3A_656, %xor3A_658 : vector<128x1xi32>
    %ge3A_660 = vector.broadcast %xor3A_659 : vector<128x1xi32> to vector<128x64xi32>
    %ge3A_661 = arith.cmpi sge, %select_n3A, %ge3A_660 : vector<128x64xi32>
    %jit3A_662 = arith.constant 1.000000e+00 : f32
    %jit3A_663 = arith.constant 0.000000e+00 : f32
    %broadcast_in_dim3A_664 = vector.broadcast %jit3A_662 : f32 to vector<128x64xf32>
    %broadcast_in_dim3A_665 = vector.broadcast %jit3A_663 : f32 to vector<128x64xf32>
    %select_n3A_666 = arith.select %ge3A_661, %broadcast_in_dim3A_664, %broadcast_in_dim3A_665 : vector<128x64xi1>, vector<128x64xf32>
    %reduce_sum3A_667 = arith.constant dense<0.000000e+00> : vector<128xf32>
    %reduce_sum3A_668 = vector.multi_reduction <add>, %select_n3A_666, %reduce_sum3A_667 [1] : vector<128x64xf32> to vector<128xf32>
    %broadcast_in_dim3A_669 = vector.shape_cast %reduce_sum3A_668 : vector<128xf32> to vector<128x1xf32>
    %ge3A_670 = arith.constant 3.200000e+01 : f32
    %ge3A_671 = vector.broadcast %ge3A_670 : f32 to vector<128x1xf32>
    %ge3A_672 = arith.cmpf oge, %broadcast_in_dim3A_669, %ge3A_671 : vector<128x1xf32>
    %select_n3A_673 = arith.select %ge3A_672, %or3A_656, %select_n3A_649 : vector<128x1xi1>, vector<128x1xi32>
    %scan3A_674 = arith.constant 28 : i32
    %sub3A_675 = arith.constant 31 : i32
    %sub3A_676 = arith.subi %sub3A_675, %scan3A_674 : i32
    %shift_left3A_677 = arith.constant 1 : i32
    %shift_left3A_678 = arith.shli %shift_left3A_677, %sub3A_676 : i32
    %or3A_679 = vector.broadcast %shift_left3A_678 : i32 to vector<128x1xi32>
    %or3A_680 = arith.ori %select_n3A_673, %or3A_679 : vector<128x1xi32>
    %xor3A_681 = arith.constant -2147483648 : i32
    %xor3A_682 = vector.broadcast %xor3A_681 : i32 to vector<128x1xi32>
    %xor3A_683 = arith.xori %or3A_680, %xor3A_682 : vector<128x1xi32>
    %ge3A_684 = vector.broadcast %xor3A_683 : vector<128x1xi32> to vector<128x64xi32>
    %ge3A_685 = arith.cmpi sge, %select_n3A, %ge3A_684 : vector<128x64xi32>
    %jit3A_686 = arith.constant 1.000000e+00 : f32
    %jit3A_687 = arith.constant 0.000000e+00 : f32
    %broadcast_in_dim3A_688 = vector.broadcast %jit3A_686 : f32 to vector<128x64xf32>
    %broadcast_in_dim3A_689 = vector.broadcast %jit3A_687 : f32 to vector<128x64xf32>
    %select_n3A_690 = arith.select %ge3A_685, %broadcast_in_dim3A_688, %broadcast_in_dim3A_689 : vector<128x64xi1>, vector<128x64xf32>
    %reduce_sum3A_691 = arith.constant dense<0.000000e+00> : vector<128xf32>
    %reduce_sum3A_692 = vector.multi_reduction <add>, %select_n3A_690, %reduce_sum3A_691 [1] : vector<128x64xf32> to vector<128xf32>
    %broadcast_in_dim3A_693 = vector.shape_cast %reduce_sum3A_692 : vector<128xf32> to vector<128x1xf32>
    %ge3A_694 = arith.constant 3.200000e+01 : f32
    %ge3A_695 = vector.broadcast %ge3A_694 : f32 to vector<128x1xf32>
    %ge3A_696 = arith.cmpf oge, %broadcast_in_dim3A_693, %ge3A_695 : vector<128x1xf32>
    %select_n3A_697 = arith.select %ge3A_696, %or3A_680, %select_n3A_673 : vector<128x1xi1>, vector<128x1xi32>
    %scan3A_698 = arith.constant 29 : i32
    %sub3A_699 = arith.constant 31 : i32
    %sub3A_700 = arith.subi %sub3A_699, %scan3A_698 : i32
    %shift_left3A_701 = arith.constant 1 : i32
    %shift_left3A_702 = arith.shli %shift_left3A_701, %sub3A_700 : i32
    %or3A_703 = vector.broadcast %shift_left3A_702 : i32 to vector<128x1xi32>
    %or3A_704 = arith.ori %select_n3A_697, %or3A_703 : vector<128x1xi32>
    %xor3A_705 = arith.constant -2147483648 : i32
    %xor3A_706 = vector.broadcast %xor3A_705 : i32 to vector<128x1xi32>
    %xor3A_707 = arith.xori %or3A_704, %xor3A_706 : vector<128x1xi32>
    %ge3A_708 = vector.broadcast %xor3A_707 : vector<128x1xi32> to vector<128x64xi32>
    %ge3A_709 = arith.cmpi sge, %select_n3A, %ge3A_708 : vector<128x64xi32>
    %jit3A_710 = arith.constant 1.000000e+00 : f32
    %jit3A_711 = arith.constant 0.000000e+00 : f32
    %broadcast_in_dim3A_712 = vector.broadcast %jit3A_710 : f32 to vector<128x64xf32>
    %broadcast_in_dim3A_713 = vector.broadcast %jit3A_711 : f32 to vector<128x64xf32>
    %select_n3A_714 = arith.select %ge3A_709, %broadcast_in_dim3A_712, %broadcast_in_dim3A_713 : vector<128x64xi1>, vector<128x64xf32>
    %reduce_sum3A_715 = arith.constant dense<0.000000e+00> : vector<128xf32>
    %reduce_sum3A_716 = vector.multi_reduction <add>, %select_n3A_714, %reduce_sum3A_715 [1] : vector<128x64xf32> to vector<128xf32>
    %broadcast_in_dim3A_717 = vector.shape_cast %reduce_sum3A_716 : vector<128xf32> to vector<128x1xf32>
    %ge3A_718 = arith.constant 3.200000e+01 : f32
    %ge3A_719 = vector.broadcast %ge3A_718 : f32 to vector<128x1xf32>
    %ge3A_720 = arith.cmpf oge, %broadcast_in_dim3A_717, %ge3A_719 : vector<128x1xf32>
    %select_n3A_721 = arith.select %ge3A_720, %or3A_704, %select_n3A_697 : vector<128x1xi1>, vector<128x1xi32>
    %scan3A_722 = arith.constant 30 : i32
    %sub3A_723 = arith.constant 31 : i32
    %sub3A_724 = arith.subi %sub3A_723, %scan3A_722 : i32
    %shift_left3A_725 = arith.constant 1 : i32
    %shift_left3A_726 = arith.shli %shift_left3A_725, %sub3A_724 : i32
    %or3A_727 = vector.broadcast %shift_left3A_726 : i32 to vector<128x1xi32>
    %or3A_728 = arith.ori %select_n3A_721, %or3A_727 : vector<128x1xi32>
    %xor3A_729 = arith.constant -2147483648 : i32
    %xor3A_730 = vector.broadcast %xor3A_729 : i32 to vector<128x1xi32>
    %xor3A_731 = arith.xori %or3A_728, %xor3A_730 : vector<128x1xi32>
    %ge3A_732 = vector.broadcast %xor3A_731 : vector<128x1xi32> to vector<128x64xi32>
    %ge3A_733 = arith.cmpi sge, %select_n3A, %ge3A_732 : vector<128x64xi32>
    %jit3A_734 = arith.constant 1.000000e+00 : f32
    %jit3A_735 = arith.constant 0.000000e+00 : f32
    %broadcast_in_dim3A_736 = vector.broadcast %jit3A_734 : f32 to vector<128x64xf32>
    %broadcast_in_dim3A_737 = vector.broadcast %jit3A_735 : f32 to vector<128x64xf32>
    %select_n3A_738 = arith.select %ge3A_733, %broadcast_in_dim3A_736, %broadcast_in_dim3A_737 : vector<128x64xi1>, vector<128x64xf32>
    %reduce_sum3A_739 = arith.constant dense<0.000000e+00> : vector<128xf32>
    %reduce_sum3A_740 = vector.multi_reduction <add>, %select_n3A_738, %reduce_sum3A_739 [1] : vector<128x64xf32> to vector<128xf32>
    %broadcast_in_dim3A_741 = vector.shape_cast %reduce_sum3A_740 : vector<128xf32> to vector<128x1xf32>
    %ge3A_742 = arith.constant 3.200000e+01 : f32
    %ge3A_743 = vector.broadcast %ge3A_742 : f32 to vector<128x1xf32>
    %ge3A_744 = arith.cmpf oge, %broadcast_in_dim3A_741, %ge3A_743 : vector<128x1xf32>
    %select_n3A_745 = arith.select %ge3A_744, %or3A_728, %select_n3A_721 : vector<128x1xi1>, vector<128x1xi32>
    %scan3A_746 = arith.constant 31 : i32
    %sub3A_747 = arith.constant 31 : i32
    %sub3A_748 = arith.subi %sub3A_747, %scan3A_746 : i32
    %shift_left3A_749 = arith.constant 1 : i32
    %shift_left3A_750 = arith.shli %shift_left3A_749, %sub3A_748 : i32
    %or3A_751 = vector.broadcast %shift_left3A_750 : i32 to vector<128x1xi32>
    %or3A_752 = arith.ori %select_n3A_745, %or3A_751 : vector<128x1xi32>
    %xor3A_753 = arith.constant -2147483648 : i32
    %xor3A_754 = vector.broadcast %xor3A_753 : i32 to vector<128x1xi32>
    %xor3A_755 = arith.xori %or3A_752, %xor3A_754 : vector<128x1xi32>
    %ge3A_756 = vector.broadcast %xor3A_755 : vector<128x1xi32> to vector<128x64xi32>
    %ge3A_757 = arith.cmpi sge, %select_n3A, %ge3A_756 : vector<128x64xi32>
    %jit3A_758 = arith.constant 1.000000e+00 : f32
    %jit3A_759 = arith.constant 0.000000e+00 : f32
    %broadcast_in_dim3A_760 = vector.broadcast %jit3A_758 : f32 to vector<128x64xf32>
    %broadcast_in_dim3A_761 = vector.broadcast %jit3A_759 : f32 to vector<128x64xf32>
    %select_n3A_762 = arith.select %ge3A_757, %broadcast_in_dim3A_760, %broadcast_in_dim3A_761 : vector<128x64xi1>, vector<128x64xf32>
    %reduce_sum3A_763 = arith.constant dense<0.000000e+00> : vector<128xf32>
    %reduce_sum3A_764 = vector.multi_reduction <add>, %select_n3A_762, %reduce_sum3A_763 [1] : vector<128x64xf32> to vector<128xf32>
    %broadcast_in_dim3A_765 = vector.shape_cast %reduce_sum3A_764 : vector<128xf32> to vector<128x1xf32>
    %ge3A_766 = arith.constant 3.200000e+01 : f32
    %ge3A_767 = vector.broadcast %ge3A_766 : f32 to vector<128x1xf32>
    %ge3A_768 = arith.cmpf oge, %broadcast_in_dim3A_765, %ge3A_767 : vector<128x1xf32>
    %select_n3A_769 = arith.select %ge3A_768, %or3A_752, %select_n3A_745 : vector<128x1xi1>, vector<128x1xi32>
    %scan3A_770 = arith.constant 32 : i32
    %xor3A_771 = arith.constant -2147483648 : i32
    %xor3A_772 = vector.broadcast %xor3A_771 : i32 to vector<128x1xi32>
    %xor3A_773 = arith.xori %select_n3A_769, %xor3A_772 : vector<128x1xi32>
    %ge3A_774 = arith.constant 0 : i32
    %ge3A_775 = vector.broadcast %ge3A_774 : i32 to vector<128x1xi32>
    %ge3A_776 = arith.cmpi sge, %xor3A_773, %ge3A_775 : vector<128x1xi32>
    %xor3A_777 = arith.constant 2147483647 : i32
    %xor3A_778 = vector.broadcast %xor3A_777 : i32 to vector<128x1xi32>
    %xor3A_779 = arith.xori %xor3A_773, %xor3A_778 : vector<128x1xi32>
    %select_n3A_780 = arith.select %ge3A_776, %xor3A_773, %xor3A_779 : vector<128x1xi1>, vector<128x1xi32>
    %bitcast_convert_type3A_781 = tpu.bitcast %select_n3A_780 : vector<128x1xi32> -> vector<128x1xf32>
    %broadcast_in_dim3A_782 = vector.shape_cast %bitcast_convert_type3A_781 : vector<128x1xf32> to vector<128x1xf32>
    %broadcast_in_dim3A_783 = vector.broadcast %broadcast_in_dim3A_782 : vector<128x1xf32> to vector<128x16xf32>
    %swap3A = arith.constant 0 : index
    %swap3A_784 = arith.constant 0 : index
    %swap3A_785 = vector.load %arg2[%swap3A, %swap3A_784] : memref<128x16xf32, #tpu.memory_space<vmem>>, vector<128x16xf32>
    tpu.vector_store %arg2[%swap3A, %swap3A_784], %broadcast_in_dim3A_783 {strides = array<i32>} : memref<128x16xf32, #tpu.memory_space<vmem>>, vector<128x16xf32>,
    %gt3A = vector.broadcast %bitcast_convert_type3A_781 : vector<128x1xf32> to vector<128x64xf32>
    %gt3A_786 = arith.cmpf ogt, %reduce_max3A_2, %gt3A : vector<128x64xf32>
    %jit3A_787 = arith.constant 1.000000e+00 : f32
    %jit3A_788 = arith.constant 0.000000e+00 : f32
    %broadcast_in_dim3A_789 = vector.broadcast %jit3A_787 : f32 to vector<128x64xf32>
    %broadcast_in_dim3A_790 = vector.broadcast %jit3A_788 : f32 to vector<128x64xf32>
    %select_n3A_791 = arith.select %gt3A_786, %broadcast_in_dim3A_789, %broadcast_in_dim3A_790 : vector<128x64xi1>, vector<128x64xf32>
    %iota3A = tpu.iota {dimensions = array<i32: 0>} : vector<64x64xi32>
    %iota3A_792 = tpu.iota {dimensions = array<i32: 1>} : vector<64x64xi32>
    %le3A = arith.cmpi sle, %iota3A, %iota3A_792 : vector<64x64xi32>
    %convert_element_type3A = arith.extui %le3A : vector<64x64xi1> to vector<64x64xi32>
    %convert_element_type3A_793 = arith.sitofp %convert_element_type3A : vector<64x64xi32> to vector<64x64xf32>
    %dot_general3A = arith.constant dense<0.000000e+00> : vector<128x64xf32>
    %dot_general3A_794 = tpu.matmul %select_n3A_791, %convert_element_type3A_793, %dot_general3A {dimension_numbers = #tpu.dot_dimension_numbers<[1], [0], [0], [1], [0, 0, 1, 1], [], []>, transpose_lhs_hint = false} : vector<128x64xf32>, vector<64x64xf32>, vector<128x64xf32> -> vector<128x64xf32>
    %mul3A = arith.mulf %select_n3A_791, %dot_general3A_794 : vector<128x64xf32>
    %swap3A_795 = arith.constant 0 : index
    %swap3A_796 = arith.constant 0 : index
    %swap3A_797 = vector.load %arg1[%swap3A_795, %swap3A_796] : memref<128x64xf32, #tpu.memory_space<vmem>>, vector<128x64xf32>
    tpu.vector_store %arg1[%swap3A_795, %swap3A_796], %mul3A {strides = array<i32>} : memref<128x64xf32, #tpu.memory_space<vmem>>, vector<128x64xf32>,
    return
  }
}

module attributes {stable_mosaic.version = 14 : i64} {
  func.func @_tc_b_body(%arg0: memref<128x8192xf32, #tpu.memory_space<vmem>>, %arg1: memref<128x64xf32, #tpu.memory_space<vmem>>, %arg2: memref<128x16xf32, #tpu.memory_space<vmem>>, %arg3: memref<4096x128xf32, #tpu.memory_space<vmem>>, %arg4: memref<128x8192xf32, #tpu.memory_space<vmem>>) attributes {dimension_semantics = [], scalar_prefetch = 0 : i64, scratch_operands = 0 : i64, tpu.core_type = #tpu.core_type<tc>} {
    %get3A = arith.constant 0 : index
    %get3A_0 = arith.constant 0 : index
    %get3A_1 = vector.load %arg0[%get3A, %get3A_0] : memref<128x8192xf32, #tpu.memory_space<vmem>>, vector<128x8192xf32>
    %get3A_2 = arith.constant 0 : index
    %get3A_3 = arith.constant 0 : index
    %get3A_4 = vector.load %arg2[%get3A_2, %get3A_3] : memref<128x16xf32, #tpu.memory_space<vmem>>, vector<128x16xf32>
    %slice3A = vector.extract_strided_slice %get3A_4 {offsets = [0, 0], sizes = [128, 1], strides = [1, 1]} : vector<128x16xf32> to vector<128x1xf32>
    %get3A_5 = arith.constant 0 : index
    %get3A_6 = arith.constant 0 : index
    %get3A_7 = vector.load %arg1[%get3A_5, %get3A_6] : memref<128x64xf32, #tpu.memory_space<vmem>>, vector<128x64xf32>
    %reduce_max3A = arith.constant dense<0xFF800000> : vector<128xf32>
    %reduce_max3A_8 = vector.multi_reduction <maximumf>, %get3A_7, %reduce_max3A [1] : vector<128x64xf32> to vector<128xf32>
    %broadcast_in_dim3A = vector.shape_cast %reduce_max3A_8 : vector<128xf32> to vector<128x1xf32>
    %get3A_9 = arith.constant 0 : index
    %get3A_10 = arith.constant 0 : index
    %get3A_11 = vector.load %arg3[%get3A_9, %get3A_10] : memref<4096x128xf32, #tpu.memory_space<vmem>>, vector<4096x128xf32>
    %reshape3A = vector.shape_cast %get3A_11 : vector<4096x128xf32> to vector<128x32x128xf32>
    %iota3A = tpu.iota {dimensions = array<i32: 1>} : vector<1x32x1xi32>
    %convert_element_type3A = arith.sitofp %iota3A : vector<1x32x1xi32> to vector<1x32x1xf32>
    %broadcast_in_dim3A_12 = vector.shape_cast %broadcast_in_dim3A : vector<128x1xf32> to vector<128x1x1xf32>
    %ge3A = vector.broadcast %convert_element_type3A : vector<1x32x1xf32> to vector<128x32x1xf32>
    %ge3A_13 = vector.broadcast %broadcast_in_dim3A_12 : vector<128x1x1xf32> to vector<128x32x1xf32>
    %ge3A_14 = arith.cmpf oge, %ge3A, %ge3A_13 : vector<128x32x1xf32>
    %jit3A = arith.constant 1.000000e+00 : f32
    %jit3A_15 = arith.constant 0.000000e+00 : f32
    %broadcast_in_dim3A_16 = vector.broadcast %jit3A : f32 to vector<128x32x1xf32>
    %broadcast_in_dim3A_17 = vector.broadcast %jit3A_15 : f32 to vector<128x32x1xf32>
    %select_n3A = arith.select %ge3A_14, %broadcast_in_dim3A_16, %broadcast_in_dim3A_17 : vector<128x32x1xi1>, vector<128x32x1xf32>
    %mul3A = arith.constant 3.000000e+38 : f32
    %mul3A_18 = vector.broadcast %mul3A : f32 to vector<128x32x1xf32>
    %mul3A_19 = arith.mulf %select_n3A, %mul3A_18 : vector<128x32x1xf32>
    %sub3A = vector.broadcast %mul3A_19 : vector<128x32x1xf32> to vector<128x32x128xf32>
    %sub3A_20 = arith.subf %reshape3A, %sub3A : vector<128x32x128xf32>
    %reshape3A_21 = vector.shape_cast %sub3A_20 : vector<128x32x128xf32> to vector<128x4096xf32>
    %bitcast_convert_type3A = tpu.bitcast %reshape3A_21 : vector<128x4096xf32> -> vector<128x4096xi32>
    %ge3A_22 = arith.constant 0 : i32
    %ge3A_23 = vector.broadcast %ge3A_22 : i32 to vector<128x4096xi32>
    %ge3A_24 = arith.cmpi sge, %bitcast_convert_type3A, %ge3A_23 : vector<128x4096xi32>
    %xor3A = arith.constant 2147483647 : i32
    %xor3A_25 = vector.broadcast %xor3A : i32 to vector<128x4096xi32>
    %xor3A_26 = arith.xori %bitcast_convert_type3A, %xor3A_25 : vector<128x4096xi32>
    %select_n3A_27 = arith.select %ge3A_24, %bitcast_convert_type3A, %xor3A_26 : vector<128x4096xi1>, vector<128x4096xi32>
    %broadcast_in_dim3A_28 = arith.constant 0 : i32
    %broadcast_in_dim3A_29 = vector.broadcast %broadcast_in_dim3A_28 : i32 to vector<128x1xi32>
    %scan3A = arith.constant 0 : i32
    %sub3A_30 = arith.constant 31 : i32
    %sub3A_31 = arith.subi %sub3A_30, %scan3A : i32
    %shift_left3A = arith.constant 1 : i32
    %shift_left3A_32 = arith.shli %shift_left3A, %sub3A_31 : i32
    %or3A = vector.broadcast %shift_left3A_32 : i32 to vector<128x1xi32>
    %or3A_33 = arith.ori %broadcast_in_dim3A_29, %or3A : vector<128x1xi32>
    %xor3A_34 = arith.constant -2147483648 : i32
    %xor3A_35 = vector.broadcast %xor3A_34 : i32 to vector<128x1xi32>
    %xor3A_36 = arith.xori %or3A_33, %xor3A_35 : vector<128x1xi32>
    %ge3A_37 = vector.broadcast %xor3A_36 : vector<128x1xi32> to vector<128x4096xi32>
    %ge3A_38 = arith.cmpi sge, %select_n3A_27, %ge3A_37 : vector<128x4096xi32>
    %jit3A_39 = arith.constant 1.000000e+00 : f32
    %jit3A_40 = arith.constant 0.000000e+00 : f32
    %broadcast_in_dim3A_41 = vector.broadcast %jit3A_39 : f32 to vector<128x4096xf32>
    %broadcast_in_dim3A_42 = vector.broadcast %jit3A_40 : f32 to vector<128x4096xf32>
    %select_n3A_43 = arith.select %ge3A_38, %broadcast_in_dim3A_41, %broadcast_in_dim3A_42 : vector<128x4096xi1>, vector<128x4096xf32>
    %reduce_sum3A = arith.constant dense<0.000000e+00> : vector<128xf32>
    %reduce_sum3A_44 = vector.multi_reduction <add>, %select_n3A_43, %reduce_sum3A [1] : vector<128x4096xf32> to vector<128xf32>
    %broadcast_in_dim3A_45 = vector.shape_cast %reduce_sum3A_44 : vector<128xf32> to vector<128x1xf32>
    %ge3A_46 = arith.constant 3.200000e+01 : f32
    %ge3A_47 = vector.broadcast %ge3A_46 : f32 to vector<128x1xf32>
    %ge3A_48 = arith.cmpf oge, %broadcast_in_dim3A_45, %ge3A_47 : vector<128x1xf32>
    %select_n3A_49 = arith.select %ge3A_48, %or3A_33, %broadcast_in_dim3A_29 : vector<128x1xi1>, vector<128x1xi32>
    %scan3A_50 = arith.constant 1 : i32
    %sub3A_51 = arith.constant 31 : i32
    %sub3A_52 = arith.subi %sub3A_51, %scan3A_50 : i32
    %shift_left3A_53 = arith.constant 1 : i32
    %shift_left3A_54 = arith.shli %shift_left3A_53, %sub3A_52 : i32
    %or3A_55 = vector.broadcast %shift_left3A_54 : i32 to vector<128x1xi32>
    %or3A_56 = arith.ori %select_n3A_49, %or3A_55 : vector<128x1xi32>
    %xor3A_57 = arith.constant -2147483648 : i32
    %xor3A_58 = vector.broadcast %xor3A_57 : i32 to vector<128x1xi32>
    %xor3A_59 = arith.xori %or3A_56, %xor3A_58 : vector<128x1xi32>
    %ge3A_60 = vector.broadcast %xor3A_59 : vector<128x1xi32> to vector<128x4096xi32>
    %ge3A_61 = arith.cmpi sge, %select_n3A_27, %ge3A_60 : vector<128x4096xi32>
    %jit3A_62 = arith.constant 1.000000e+00 : f32
    %jit3A_63 = arith.constant 0.000000e+00 : f32
    %broadcast_in_dim3A_64 = vector.broadcast %jit3A_62 : f32 to vector<128x4096xf32>
    %broadcast_in_dim3A_65 = vector.broadcast %jit3A_63 : f32 to vector<128x4096xf32>
    %select_n3A_66 = arith.select %ge3A_61, %broadcast_in_dim3A_64, %broadcast_in_dim3A_65 : vector<128x4096xi1>, vector<128x4096xf32>
    %reduce_sum3A_67 = arith.constant dense<0.000000e+00> : vector<128xf32>
    %reduce_sum3A_68 = vector.multi_reduction <add>, %select_n3A_66, %reduce_sum3A_67 [1] : vector<128x4096xf32> to vector<128xf32>
    %broadcast_in_dim3A_69 = vector.shape_cast %reduce_sum3A_68 : vector<128xf32> to vector<128x1xf32>
    %ge3A_70 = arith.constant 3.200000e+01 : f32
    %ge3A_71 = vector.broadcast %ge3A_70 : f32 to vector<128x1xf32>
    %ge3A_72 = arith.cmpf oge, %broadcast_in_dim3A_69, %ge3A_71 : vector<128x1xf32>
    %select_n3A_73 = arith.select %ge3A_72, %or3A_56, %select_n3A_49 : vector<128x1xi1>, vector<128x1xi32>
    %scan3A_74 = arith.constant 2 : i32
    %sub3A_75 = arith.constant 31 : i32
    %sub3A_76 = arith.subi %sub3A_75, %scan3A_74 : i32
    %shift_left3A_77 = arith.constant 1 : i32
    %shift_left3A_78 = arith.shli %shift_left3A_77, %sub3A_76 : i32
    %or3A_79 = vector.broadcast %shift_left3A_78 : i32 to vector<128x1xi32>
    %or3A_80 = arith.ori %select_n3A_73, %or3A_79 : vector<128x1xi32>
    %xor3A_81 = arith.constant -2147483648 : i32
    %xor3A_82 = vector.broadcast %xor3A_81 : i32 to vector<128x1xi32>
    %xor3A_83 = arith.xori %or3A_80, %xor3A_82 : vector<128x1xi32>
    %ge3A_84 = vector.broadcast %xor3A_83 : vector<128x1xi32> to vector<128x4096xi32>
    %ge3A_85 = arith.cmpi sge, %select_n3A_27, %ge3A_84 : vector<128x4096xi32>
    %jit3A_86 = arith.constant 1.000000e+00 : f32
    %jit3A_87 = arith.constant 0.000000e+00 : f32
    %broadcast_in_dim3A_88 = vector.broadcast %jit3A_86 : f32 to vector<128x4096xf32>
    %broadcast_in_dim3A_89 = vector.broadcast %jit3A_87 : f32 to vector<128x4096xf32>
    %select_n3A_90 = arith.select %ge3A_85, %broadcast_in_dim3A_88, %broadcast_in_dim3A_89 : vector<128x4096xi1>, vector<128x4096xf32>
    %reduce_sum3A_91 = arith.constant dense<0.000000e+00> : vector<128xf32>
    %reduce_sum3A_92 = vector.multi_reduction <add>, %select_n3A_90, %reduce_sum3A_91 [1] : vector<128x4096xf32> to vector<128xf32>
    %broadcast_in_dim3A_93 = vector.shape_cast %reduce_sum3A_92 : vector<128xf32> to vector<128x1xf32>
    %ge3A_94 = arith.constant 3.200000e+01 : f32
    %ge3A_95 = vector.broadcast %ge3A_94 : f32 to vector<128x1xf32>
    %ge3A_96 = arith.cmpf oge, %broadcast_in_dim3A_93, %ge3A_95 : vector<128x1xf32>
    %select_n3A_97 = arith.select %ge3A_96, %or3A_80, %select_n3A_73 : vector<128x1xi1>, vector<128x1xi32>
    %scan3A_98 = arith.constant 3 : i32
    %sub3A_99 = arith.constant 31 : i32
    %sub3A_100 = arith.subi %sub3A_99, %scan3A_98 : i32
    %shift_left3A_101 = arith.constant 1 : i32
    %shift_left3A_102 = arith.shli %shift_left3A_101, %sub3A_100 : i32
    %or3A_103 = vector.broadcast %shift_left3A_102 : i32 to vector<128x1xi32>
    %or3A_104 = arith.ori %select_n3A_97, %or3A_103 : vector<128x1xi32>
    %xor3A_105 = arith.constant -2147483648 : i32
    %xor3A_106 = vector.broadcast %xor3A_105 : i32 to vector<128x1xi32>
    %xor3A_107 = arith.xori %or3A_104, %xor3A_106 : vector<128x1xi32>
    %ge3A_108 = vector.broadcast %xor3A_107 : vector<128x1xi32> to vector<128x4096xi32>
    %ge3A_109 = arith.cmpi sge, %select_n3A_27, %ge3A_108 : vector<128x4096xi32>
    %jit3A_110 = arith.constant 1.000000e+00 : f32
    %jit3A_111 = arith.constant 0.000000e+00 : f32
    %broadcast_in_dim3A_112 = vector.broadcast %jit3A_110 : f32 to vector<128x4096xf32>
    %broadcast_in_dim3A_113 = vector.broadcast %jit3A_111 : f32 to vector<128x4096xf32>
    %select_n3A_114 = arith.select %ge3A_109, %broadcast_in_dim3A_112, %broadcast_in_dim3A_113 : vector<128x4096xi1>, vector<128x4096xf32>
    %reduce_sum3A_115 = arith.constant dense<0.000000e+00> : vector<128xf32>
    %reduce_sum3A_116 = vector.multi_reduction <add>, %select_n3A_114, %reduce_sum3A_115 [1] : vector<128x4096xf32> to vector<128xf32>
    %broadcast_in_dim3A_117 = vector.shape_cast %reduce_sum3A_116 : vector<128xf32> to vector<128x1xf32>
    %ge3A_118 = arith.constant 3.200000e+01 : f32
    %ge3A_119 = vector.broadcast %ge3A_118 : f32 to vector<128x1xf32>
    %ge3A_120 = arith.cmpf oge, %broadcast_in_dim3A_117, %ge3A_119 : vector<128x1xf32>
    %select_n3A_121 = arith.select %ge3A_120, %or3A_104, %select_n3A_97 : vector<128x1xi1>, vector<128x1xi32>
    %scan3A_122 = arith.constant 4 : i32
    %sub3A_123 = arith.constant 31 : i32
    %sub3A_124 = arith.subi %sub3A_123, %scan3A_122 : i32
    %shift_left3A_125 = arith.constant 1 : i32
    %shift_left3A_126 = arith.shli %shift_left3A_125, %sub3A_124 : i32
    %or3A_127 = vector.broadcast %shift_left3A_126 : i32 to vector<128x1xi32>
    %or3A_128 = arith.ori %select_n3A_121, %or3A_127 : vector<128x1xi32>
    %xor3A_129 = arith.constant -2147483648 : i32
    %xor3A_130 = vector.broadcast %xor3A_129 : i32 to vector<128x1xi32>
    %xor3A_131 = arith.xori %or3A_128, %xor3A_130 : vector<128x1xi32>
    %ge3A_132 = vector.broadcast %xor3A_131 : vector<128x1xi32> to vector<128x4096xi32>
    %ge3A_133 = arith.cmpi sge, %select_n3A_27, %ge3A_132 : vector<128x4096xi32>
    %jit3A_134 = arith.constant 1.000000e+00 : f32
    %jit3A_135 = arith.constant 0.000000e+00 : f32
    %broadcast_in_dim3A_136 = vector.broadcast %jit3A_134 : f32 to vector<128x4096xf32>
    %broadcast_in_dim3A_137 = vector.broadcast %jit3A_135 : f32 to vector<128x4096xf32>
    %select_n3A_138 = arith.select %ge3A_133, %broadcast_in_dim3A_136, %broadcast_in_dim3A_137 : vector<128x4096xi1>, vector<128x4096xf32>
    %reduce_sum3A_139 = arith.constant dense<0.000000e+00> : vector<128xf32>
    %reduce_sum3A_140 = vector.multi_reduction <add>, %select_n3A_138, %reduce_sum3A_139 [1] : vector<128x4096xf32> to vector<128xf32>
    %broadcast_in_dim3A_141 = vector.shape_cast %reduce_sum3A_140 : vector<128xf32> to vector<128x1xf32>
    %ge3A_142 = arith.constant 3.200000e+01 : f32
    %ge3A_143 = vector.broadcast %ge3A_142 : f32 to vector<128x1xf32>
    %ge3A_144 = arith.cmpf oge, %broadcast_in_dim3A_141, %ge3A_143 : vector<128x1xf32>
    %select_n3A_145 = arith.select %ge3A_144, %or3A_128, %select_n3A_121 : vector<128x1xi1>, vector<128x1xi32>
    %scan3A_146 = arith.constant 5 : i32
    %sub3A_147 = arith.constant 31 : i32
    %sub3A_148 = arith.subi %sub3A_147, %scan3A_146 : i32
    %shift_left3A_149 = arith.constant 1 : i32
    %shift_left3A_150 = arith.shli %shift_left3A_149, %sub3A_148 : i32
    %or3A_151 = vector.broadcast %shift_left3A_150 : i32 to vector<128x1xi32>
    %or3A_152 = arith.ori %select_n3A_145, %or3A_151 : vector<128x1xi32>
    %xor3A_153 = arith.constant -2147483648 : i32
    %xor3A_154 = vector.broadcast %xor3A_153 : i32 to vector<128x1xi32>
    %xor3A_155 = arith.xori %or3A_152, %xor3A_154 : vector<128x1xi32>
    %ge3A_156 = vector.broadcast %xor3A_155 : vector<128x1xi32> to vector<128x4096xi32>
    %ge3A_157 = arith.cmpi sge, %select_n3A_27, %ge3A_156 : vector<128x4096xi32>
    %jit3A_158 = arith.constant 1.000000e+00 : f32
    %jit3A_159 = arith.constant 0.000000e+00 : f32
    %broadcast_in_dim3A_160 = vector.broadcast %jit3A_158 : f32 to vector<128x4096xf32>
    %broadcast_in_dim3A_161 = vector.broadcast %jit3A_159 : f32 to vector<128x4096xf32>
    %select_n3A_162 = arith.select %ge3A_157, %broadcast_in_dim3A_160, %broadcast_in_dim3A_161 : vector<128x4096xi1>, vector<128x4096xf32>
    %reduce_sum3A_163 = arith.constant dense<0.000000e+00> : vector<128xf32>
    %reduce_sum3A_164 = vector.multi_reduction <add>, %select_n3A_162, %reduce_sum3A_163 [1] : vector<128x4096xf32> to vector<128xf32>
    %broadcast_in_dim3A_165 = vector.shape_cast %reduce_sum3A_164 : vector<128xf32> to vector<128x1xf32>
    %ge3A_166 = arith.constant 3.200000e+01 : f32
    %ge3A_167 = vector.broadcast %ge3A_166 : f32 to vector<128x1xf32>
    %ge3A_168 = arith.cmpf oge, %broadcast_in_dim3A_165, %ge3A_167 : vector<128x1xf32>
    %select_n3A_169 = arith.select %ge3A_168, %or3A_152, %select_n3A_145 : vector<128x1xi1>, vector<128x1xi32>
    %scan3A_170 = arith.constant 6 : i32
    %sub3A_171 = arith.constant 31 : i32
    %sub3A_172 = arith.subi %sub3A_171, %scan3A_170 : i32
    %shift_left3A_173 = arith.constant 1 : i32
    %shift_left3A_174 = arith.shli %shift_left3A_173, %sub3A_172 : i32
    %or3A_175 = vector.broadcast %shift_left3A_174 : i32 to vector<128x1xi32>
    %or3A_176 = arith.ori %select_n3A_169, %or3A_175 : vector<128x1xi32>
    %xor3A_177 = arith.constant -2147483648 : i32
    %xor3A_178 = vector.broadcast %xor3A_177 : i32 to vector<128x1xi32>
    %xor3A_179 = arith.xori %or3A_176, %xor3A_178 : vector<128x1xi32>
    %ge3A_180 = vector.broadcast %xor3A_179 : vector<128x1xi32> to vector<128x4096xi32>
    %ge3A_181 = arith.cmpi sge, %select_n3A_27, %ge3A_180 : vector<128x4096xi32>
    %jit3A_182 = arith.constant 1.000000e+00 : f32
    %jit3A_183 = arith.constant 0.000000e+00 : f32
    %broadcast_in_dim3A_184 = vector.broadcast %jit3A_182 : f32 to vector<128x4096xf32>
    %broadcast_in_dim3A_185 = vector.broadcast %jit3A_183 : f32 to vector<128x4096xf32>
    %select_n3A_186 = arith.select %ge3A_181, %broadcast_in_dim3A_184, %broadcast_in_dim3A_185 : vector<128x4096xi1>, vector<128x4096xf32>
    %reduce_sum3A_187 = arith.constant dense<0.000000e+00> : vector<128xf32>
    %reduce_sum3A_188 = vector.multi_reduction <add>, %select_n3A_186, %reduce_sum3A_187 [1] : vector<128x4096xf32> to vector<128xf32>
    %broadcast_in_dim3A_189 = vector.shape_cast %reduce_sum3A_188 : vector<128xf32> to vector<128x1xf32>
    %ge3A_190 = arith.constant 3.200000e+01 : f32
    %ge3A_191 = vector.broadcast %ge3A_190 : f32 to vector<128x1xf32>
    %ge3A_192 = arith.cmpf oge, %broadcast_in_dim3A_189, %ge3A_191 : vector<128x1xf32>
    %select_n3A_193 = arith.select %ge3A_192, %or3A_176, %select_n3A_169 : vector<128x1xi1>, vector<128x1xi32>
    %scan3A_194 = arith.constant 7 : i32
    %sub3A_195 = arith.constant 31 : i32
    %sub3A_196 = arith.subi %sub3A_195, %scan3A_194 : i32
    %shift_left3A_197 = arith.constant 1 : i32
    %shift_left3A_198 = arith.shli %shift_left3A_197, %sub3A_196 : i32
    %or3A_199 = vector.broadcast %shift_left3A_198 : i32 to vector<128x1xi32>
    %or3A_200 = arith.ori %select_n3A_193, %or3A_199 : vector<128x1xi32>
    %xor3A_201 = arith.constant -2147483648 : i32
    %xor3A_202 = vector.broadcast %xor3A_201 : i32 to vector<128x1xi32>
    %xor3A_203 = arith.xori %or3A_200, %xor3A_202 : vector<128x1xi32>
    %ge3A_204 = vector.broadcast %xor3A_203 : vector<128x1xi32> to vector<128x4096xi32>
    %ge3A_205 = arith.cmpi sge, %select_n3A_27, %ge3A_204 : vector<128x4096xi32>
    %jit3A_206 = arith.constant 1.000000e+00 : f32
    %jit3A_207 = arith.constant 0.000000e+00 : f32
    %broadcast_in_dim3A_208 = vector.broadcast %jit3A_206 : f32 to vector<128x4096xf32>
    %broadcast_in_dim3A_209 = vector.broadcast %jit3A_207 : f32 to vector<128x4096xf32>
    %select_n3A_210 = arith.select %ge3A_205, %broadcast_in_dim3A_208, %broadcast_in_dim3A_209 : vector<128x4096xi1>, vector<128x4096xf32>
    %reduce_sum3A_211 = arith.constant dense<0.000000e+00> : vector<128xf32>
    %reduce_sum3A_212 = vector.multi_reduction <add>, %select_n3A_210, %reduce_sum3A_211 [1] : vector<128x4096xf32> to vector<128xf32>
    %broadcast_in_dim3A_213 = vector.shape_cast %reduce_sum3A_212 : vector<128xf32> to vector<128x1xf32>
    %ge3A_214 = arith.constant 3.200000e+01 : f32
    %ge3A_215 = vector.broadcast %ge3A_214 : f32 to vector<128x1xf32>
    %ge3A_216 = arith.cmpf oge, %broadcast_in_dim3A_213, %ge3A_215 : vector<128x1xf32>
    %select_n3A_217 = arith.select %ge3A_216, %or3A_200, %select_n3A_193 : vector<128x1xi1>, vector<128x1xi32>
    %scan3A_218 = arith.constant 8 : i32
    %sub3A_219 = arith.constant 31 : i32
    %sub3A_220 = arith.subi %sub3A_219, %scan3A_218 : i32
    %shift_left3A_221 = arith.constant 1 : i32
    %shift_left3A_222 = arith.shli %shift_left3A_221, %sub3A_220 : i32
    %or3A_223 = vector.broadcast %shift_left3A_222 : i32 to vector<128x1xi32>
    %or3A_224 = arith.ori %select_n3A_217, %or3A_223 : vector<128x1xi32>
    %xor3A_225 = arith.constant -2147483648 : i32
    %xor3A_226 = vector.broadcast %xor3A_225 : i32 to vector<128x1xi32>
    %xor3A_227 = arith.xori %or3A_224, %xor3A_226 : vector<128x1xi32>
    %ge3A_228 = vector.broadcast %xor3A_227 : vector<128x1xi32> to vector<128x4096xi32>
    %ge3A_229 = arith.cmpi sge, %select_n3A_27, %ge3A_228 : vector<128x4096xi32>
    %jit3A_230 = arith.constant 1.000000e+00 : f32
    %jit3A_231 = arith.constant 0.000000e+00 : f32
    %broadcast_in_dim3A_232 = vector.broadcast %jit3A_230 : f32 to vector<128x4096xf32>
    %broadcast_in_dim3A_233 = vector.broadcast %jit3A_231 : f32 to vector<128x4096xf32>
    %select_n3A_234 = arith.select %ge3A_229, %broadcast_in_dim3A_232, %broadcast_in_dim3A_233 : vector<128x4096xi1>, vector<128x4096xf32>
    %reduce_sum3A_235 = arith.constant dense<0.000000e+00> : vector<128xf32>
    %reduce_sum3A_236 = vector.multi_reduction <add>, %select_n3A_234, %reduce_sum3A_235 [1] : vector<128x4096xf32> to vector<128xf32>
    %broadcast_in_dim3A_237 = vector.shape_cast %reduce_sum3A_236 : vector<128xf32> to vector<128x1xf32>
    %ge3A_238 = arith.constant 3.200000e+01 : f32
    %ge3A_239 = vector.broadcast %ge3A_238 : f32 to vector<128x1xf32>
    %ge3A_240 = arith.cmpf oge, %broadcast_in_dim3A_237, %ge3A_239 : vector<128x1xf32>
    %select_n3A_241 = arith.select %ge3A_240, %or3A_224, %select_n3A_217 : vector<128x1xi1>, vector<128x1xi32>
    %scan3A_242 = arith.constant 9 : i32
    %sub3A_243 = arith.constant 31 : i32
    %sub3A_244 = arith.subi %sub3A_243, %scan3A_242 : i32
    %shift_left3A_245 = arith.constant 1 : i32
    %shift_left3A_246 = arith.shli %shift_left3A_245, %sub3A_244 : i32
    %or3A_247 = vector.broadcast %shift_left3A_246 : i32 to vector<128x1xi32>
    %or3A_248 = arith.ori %select_n3A_241, %or3A_247 : vector<128x1xi32>
    %xor3A_249 = arith.constant -2147483648 : i32
    %xor3A_250 = vector.broadcast %xor3A_249 : i32 to vector<128x1xi32>
    %xor3A_251 = arith.xori %or3A_248, %xor3A_250 : vector<128x1xi32>
    %ge3A_252 = vector.broadcast %xor3A_251 : vector<128x1xi32> to vector<128x4096xi32>
    %ge3A_253 = arith.cmpi sge, %select_n3A_27, %ge3A_252 : vector<128x4096xi32>
    %jit3A_254 = arith.constant 1.000000e+00 : f32
    %jit3A_255 = arith.constant 0.000000e+00 : f32
    %broadcast_in_dim3A_256 = vector.broadcast %jit3A_254 : f32 to vector<128x4096xf32>
    %broadcast_in_dim3A_257 = vector.broadcast %jit3A_255 : f32 to vector<128x4096xf32>
    %select_n3A_258 = arith.select %ge3A_253, %broadcast_in_dim3A_256, %broadcast_in_dim3A_257 : vector<128x4096xi1>, vector<128x4096xf32>
    %reduce_sum3A_259 = arith.constant dense<0.000000e+00> : vector<128xf32>
    %reduce_sum3A_260 = vector.multi_reduction <add>, %select_n3A_258, %reduce_sum3A_259 [1] : vector<128x4096xf32> to vector<128xf32>
    %broadcast_in_dim3A_261 = vector.shape_cast %reduce_sum3A_260 : vector<128xf32> to vector<128x1xf32>
    %ge3A_262 = arith.constant 3.200000e+01 : f32
    %ge3A_263 = vector.broadcast %ge3A_262 : f32 to vector<128x1xf32>
    %ge3A_264 = arith.cmpf oge, %broadcast_in_dim3A_261, %ge3A_263 : vector<128x1xf32>
    %select_n3A_265 = arith.select %ge3A_264, %or3A_248, %select_n3A_241 : vector<128x1xi1>, vector<128x1xi32>
    %scan3A_266 = arith.constant 10 : i32
    %sub3A_267 = arith.constant 31 : i32
    %sub3A_268 = arith.subi %sub3A_267, %scan3A_266 : i32
    %shift_left3A_269 = arith.constant 1 : i32
    %shift_left3A_270 = arith.shli %shift_left3A_269, %sub3A_268 : i32
    %or3A_271 = vector.broadcast %shift_left3A_270 : i32 to vector<128x1xi32>
    %or3A_272 = arith.ori %select_n3A_265, %or3A_271 : vector<128x1xi32>
    %xor3A_273 = arith.constant -2147483648 : i32
    %xor3A_274 = vector.broadcast %xor3A_273 : i32 to vector<128x1xi32>
    %xor3A_275 = arith.xori %or3A_272, %xor3A_274 : vector<128x1xi32>
    %ge3A_276 = vector.broadcast %xor3A_275 : vector<128x1xi32> to vector<128x4096xi32>
    %ge3A_277 = arith.cmpi sge, %select_n3A_27, %ge3A_276 : vector<128x4096xi32>
    %jit3A_278 = arith.constant 1.000000e+00 : f32
    %jit3A_279 = arith.constant 0.000000e+00 : f32
    %broadcast_in_dim3A_280 = vector.broadcast %jit3A_278 : f32 to vector<128x4096xf32>
    %broadcast_in_dim3A_281 = vector.broadcast %jit3A_279 : f32 to vector<128x4096xf32>
    %select_n3A_282 = arith.select %ge3A_277, %broadcast_in_dim3A_280, %broadcast_in_dim3A_281 : vector<128x4096xi1>, vector<128x4096xf32>
    %reduce_sum3A_283 = arith.constant dense<0.000000e+00> : vector<128xf32>
    %reduce_sum3A_284 = vector.multi_reduction <add>, %select_n3A_282, %reduce_sum3A_283 [1] : vector<128x4096xf32> to vector<128xf32>
    %broadcast_in_dim3A_285 = vector.shape_cast %reduce_sum3A_284 : vector<128xf32> to vector<128x1xf32>
    %ge3A_286 = arith.constant 3.200000e+01 : f32
    %ge3A_287 = vector.broadcast %ge3A_286 : f32 to vector<128x1xf32>
    %ge3A_288 = arith.cmpf oge, %broadcast_in_dim3A_285, %ge3A_287 : vector<128x1xf32>
    %select_n3A_289 = arith.select %ge3A_288, %or3A_272, %select_n3A_265 : vector<128x1xi1>, vector<128x1xi32>
    %scan3A_290 = arith.constant 11 : i32
    %sub3A_291 = arith.constant 31 : i32
    %sub3A_292 = arith.subi %sub3A_291, %scan3A_290 : i32
    %shift_left3A_293 = arith.constant 1 : i32
    %shift_left3A_294 = arith.shli %shift_left3A_293, %sub3A_292 : i32
    %or3A_295 = vector.broadcast %shift_left3A_294 : i32 to vector<128x1xi32>
    %or3A_296 = arith.ori %select_n3A_289, %or3A_295 : vector<128x1xi32>
    %xor3A_297 = arith.constant -2147483648 : i32
    %xor3A_298 = vector.broadcast %xor3A_297 : i32 to vector<128x1xi32>
    %xor3A_299 = arith.xori %or3A_296, %xor3A_298 : vector<128x1xi32>
    %ge3A_300 = vector.broadcast %xor3A_299 : vector<128x1xi32> to vector<128x4096xi32>
    %ge3A_301 = arith.cmpi sge, %select_n3A_27, %ge3A_300 : vector<128x4096xi32>
    %jit3A_302 = arith.constant 1.000000e+00 : f32
    %jit3A_303 = arith.constant 0.000000e+00 : f32
    %broadcast_in_dim3A_304 = vector.broadcast %jit3A_302 : f32 to vector<128x4096xf32>
    %broadcast_in_dim3A_305 = vector.broadcast %jit3A_303 : f32 to vector<128x4096xf32>
    %select_n3A_306 = arith.select %ge3A_301, %broadcast_in_dim3A_304, %broadcast_in_dim3A_305 : vector<128x4096xi1>, vector<128x4096xf32>
    %reduce_sum3A_307 = arith.constant dense<0.000000e+00> : vector<128xf32>
    %reduce_sum3A_308 = vector.multi_reduction <add>, %select_n3A_306, %reduce_sum3A_307 [1] : vector<128x4096xf32> to vector<128xf32>
    %broadcast_in_dim3A_309 = vector.shape_cast %reduce_sum3A_308 : vector<128xf32> to vector<128x1xf32>
    %ge3A_310 = arith.constant 3.200000e+01 : f32
    %ge3A_311 = vector.broadcast %ge3A_310 : f32 to vector<128x1xf32>
    %ge3A_312 = arith.cmpf oge, %broadcast_in_dim3A_309, %ge3A_311 : vector<128x1xf32>
    %select_n3A_313 = arith.select %ge3A_312, %or3A_296, %select_n3A_289 : vector<128x1xi1>, vector<128x1xi32>
    %scan3A_314 = arith.constant 12 : i32
    %sub3A_315 = arith.constant 31 : i32
    %sub3A_316 = arith.subi %sub3A_315, %scan3A_314 : i32
    %shift_left3A_317 = arith.constant 1 : i32
    %shift_left3A_318 = arith.shli %shift_left3A_317, %sub3A_316 : i32
    %or3A_319 = vector.broadcast %shift_left3A_318 : i32 to vector<128x1xi32>
    %or3A_320 = arith.ori %select_n3A_313, %or3A_319 : vector<128x1xi32>
    %xor3A_321 = arith.constant -2147483648 : i32
    %xor3A_322 = vector.broadcast %xor3A_321 : i32 to vector<128x1xi32>
    %xor3A_323 = arith.xori %or3A_320, %xor3A_322 : vector<128x1xi32>
    %ge3A_324 = vector.broadcast %xor3A_323 : vector<128x1xi32> to vector<128x4096xi32>
    %ge3A_325 = arith.cmpi sge, %select_n3A_27, %ge3A_324 : vector<128x4096xi32>
    %jit3A_326 = arith.constant 1.000000e+00 : f32
    %jit3A_327 = arith.constant 0.000000e+00 : f32
    %broadcast_in_dim3A_328 = vector.broadcast %jit3A_326 : f32 to vector<128x4096xf32>
    %broadcast_in_dim3A_329 = vector.broadcast %jit3A_327 : f32 to vector<128x4096xf32>
    %select_n3A_330 = arith.select %ge3A_325, %broadcast_in_dim3A_328, %broadcast_in_dim3A_329 : vector<128x4096xi1>, vector<128x4096xf32>
    %reduce_sum3A_331 = arith.constant dense<0.000000e+00> : vector<128xf32>
    %reduce_sum3A_332 = vector.multi_reduction <add>, %select_n3A_330, %reduce_sum3A_331 [1] : vector<128x4096xf32> to vector<128xf32>
    %broadcast_in_dim3A_333 = vector.shape_cast %reduce_sum3A_332 : vector<128xf32> to vector<128x1xf32>
    %ge3A_334 = arith.constant 3.200000e+01 : f32
    %ge3A_335 = vector.broadcast %ge3A_334 : f32 to vector<128x1xf32>
    %ge3A_336 = arith.cmpf oge, %broadcast_in_dim3A_333, %ge3A_335 : vector<128x1xf32>
    %select_n3A_337 = arith.select %ge3A_336, %or3A_320, %select_n3A_313 : vector<128x1xi1>, vector<128x1xi32>
    %scan3A_338 = arith.constant 13 : i32
    %sub3A_339 = arith.constant 31 : i32
    %sub3A_340 = arith.subi %sub3A_339, %scan3A_338 : i32
    %shift_left3A_341 = arith.constant 1 : i32
    %shift_left3A_342 = arith.shli %shift_left3A_341, %sub3A_340 : i32
    %or3A_343 = vector.broadcast %shift_left3A_342 : i32 to vector<128x1xi32>
    %or3A_344 = arith.ori %select_n3A_337, %or3A_343 : vector<128x1xi32>
    %xor3A_345 = arith.constant -2147483648 : i32
    %xor3A_346 = vector.broadcast %xor3A_345 : i32 to vector<128x1xi32>
    %xor3A_347 = arith.xori %or3A_344, %xor3A_346 : vector<128x1xi32>
    %ge3A_348 = vector.broadcast %xor3A_347 : vector<128x1xi32> to vector<128x4096xi32>
    %ge3A_349 = arith.cmpi sge, %select_n3A_27, %ge3A_348 : vector<128x4096xi32>
    %jit3A_350 = arith.constant 1.000000e+00 : f32
    %jit3A_351 = arith.constant 0.000000e+00 : f32
    %broadcast_in_dim3A_352 = vector.broadcast %jit3A_350 : f32 to vector<128x4096xf32>
    %broadcast_in_dim3A_353 = vector.broadcast %jit3A_351 : f32 to vector<128x4096xf32>
    %select_n3A_354 = arith.select %ge3A_349, %broadcast_in_dim3A_352, %broadcast_in_dim3A_353 : vector<128x4096xi1>, vector<128x4096xf32>
    %reduce_sum3A_355 = arith.constant dense<0.000000e+00> : vector<128xf32>
    %reduce_sum3A_356 = vector.multi_reduction <add>, %select_n3A_354, %reduce_sum3A_355 [1] : vector<128x4096xf32> to vector<128xf32>
    %broadcast_in_dim3A_357 = vector.shape_cast %reduce_sum3A_356 : vector<128xf32> to vector<128x1xf32>
    %ge3A_358 = arith.constant 3.200000e+01 : f32
    %ge3A_359 = vector.broadcast %ge3A_358 : f32 to vector<128x1xf32>
    %ge3A_360 = arith.cmpf oge, %broadcast_in_dim3A_357, %ge3A_359 : vector<128x1xf32>
    %select_n3A_361 = arith.select %ge3A_360, %or3A_344, %select_n3A_337 : vector<128x1xi1>, vector<128x1xi32>
    %scan3A_362 = arith.constant 14 : i32
    %sub3A_363 = arith.constant 31 : i32
    %sub3A_364 = arith.subi %sub3A_363, %scan3A_362 : i32
    %shift_left3A_365 = arith.constant 1 : i32
    %shift_left3A_366 = arith.shli %shift_left3A_365, %sub3A_364 : i32
    %or3A_367 = vector.broadcast %shift_left3A_366 : i32 to vector<128x1xi32>
    %or3A_368 = arith.ori %select_n3A_361, %or3A_367 : vector<128x1xi32>
    %xor3A_369 = arith.constant -2147483648 : i32
    %xor3A_370 = vector.broadcast %xor3A_369 : i32 to vector<128x1xi32>
    %xor3A_371 = arith.xori %or3A_368, %xor3A_370 : vector<128x1xi32>
    %ge3A_372 = vector.broadcast %xor3A_371 : vector<128x1xi32> to vector<128x4096xi32>
    %ge3A_373 = arith.cmpi sge, %select_n3A_27, %ge3A_372 : vector<128x4096xi32>
    %jit3A_374 = arith.constant 1.000000e+00 : f32
    %jit3A_375 = arith.constant 0.000000e+00 : f32
    %broadcast_in_dim3A_376 = vector.broadcast %jit3A_374 : f32 to vector<128x4096xf32>
    %broadcast_in_dim3A_377 = vector.broadcast %jit3A_375 : f32 to vector<128x4096xf32>
    %select_n3A_378 = arith.select %ge3A_373, %broadcast_in_dim3A_376, %broadcast_in_dim3A_377 : vector<128x4096xi1>, vector<128x4096xf32>
    %reduce_sum3A_379 = arith.constant dense<0.000000e+00> : vector<128xf32>
    %reduce_sum3A_380 = vector.multi_reduction <add>, %select_n3A_378, %reduce_sum3A_379 [1] : vector<128x4096xf32> to vector<128xf32>
    %broadcast_in_dim3A_381 = vector.shape_cast %reduce_sum3A_380 : vector<128xf32> to vector<128x1xf32>
    %ge3A_382 = arith.constant 3.200000e+01 : f32
    %ge3A_383 = vector.broadcast %ge3A_382 : f32 to vector<128x1xf32>
    %ge3A_384 = arith.cmpf oge, %broadcast_in_dim3A_381, %ge3A_383 : vector<128x1xf32>
    %select_n3A_385 = arith.select %ge3A_384, %or3A_368, %select_n3A_361 : vector<128x1xi1>, vector<128x1xi32>
    %scan3A_386 = arith.constant 15 : i32
    %sub3A_387 = arith.constant 31 : i32
    %sub3A_388 = arith.subi %sub3A_387, %scan3A_386 : i32
    %shift_left3A_389 = arith.constant 1 : i32
    %shift_left3A_390 = arith.shli %shift_left3A_389, %sub3A_388 : i32
    %or3A_391 = vector.broadcast %shift_left3A_390 : i32 to vector<128x1xi32>
    %or3A_392 = arith.ori %select_n3A_385, %or3A_391 : vector<128x1xi32>
    %xor3A_393 = arith.constant -2147483648 : i32
    %xor3A_394 = vector.broadcast %xor3A_393 : i32 to vector<128x1xi32>
    %xor3A_395 = arith.xori %or3A_392, %xor3A_394 : vector<128x1xi32>
    %ge3A_396 = vector.broadcast %xor3A_395 : vector<128x1xi32> to vector<128x4096xi32>
    %ge3A_397 = arith.cmpi sge, %select_n3A_27, %ge3A_396 : vector<128x4096xi32>
    %jit3A_398 = arith.constant 1.000000e+00 : f32
    %jit3A_399 = arith.constant 0.000000e+00 : f32
    %broadcast_in_dim3A_400 = vector.broadcast %jit3A_398 : f32 to vector<128x4096xf32>
    %broadcast_in_dim3A_401 = vector.broadcast %jit3A_399 : f32 to vector<128x4096xf32>
    %select_n3A_402 = arith.select %ge3A_397, %broadcast_in_dim3A_400, %broadcast_in_dim3A_401 : vector<128x4096xi1>, vector<128x4096xf32>
    %reduce_sum3A_403 = arith.constant dense<0.000000e+00> : vector<128xf32>
    %reduce_sum3A_404 = vector.multi_reduction <add>, %select_n3A_402, %reduce_sum3A_403 [1] : vector<128x4096xf32> to vector<128xf32>
    %broadcast_in_dim3A_405 = vector.shape_cast %reduce_sum3A_404 : vector<128xf32> to vector<128x1xf32>
    %ge3A_406 = arith.constant 3.200000e+01 : f32
    %ge3A_407 = vector.broadcast %ge3A_406 : f32 to vector<128x1xf32>
    %ge3A_408 = arith.cmpf oge, %broadcast_in_dim3A_405, %ge3A_407 : vector<128x1xf32>
    %select_n3A_409 = arith.select %ge3A_408, %or3A_392, %select_n3A_385 : vector<128x1xi1>, vector<128x1xi32>
    %scan3A_410 = arith.constant 16 : i32
    %sub3A_411 = arith.constant 31 : i32
    %sub3A_412 = arith.subi %sub3A_411, %scan3A_410 : i32
    %shift_left3A_413 = arith.constant 1 : i32
    %shift_left3A_414 = arith.shli %shift_left3A_413, %sub3A_412 : i32
    %or3A_415 = vector.broadcast %shift_left3A_414 : i32 to vector<128x1xi32>
    %or3A_416 = arith.ori %select_n3A_409, %or3A_415 : vector<128x1xi32>
    %xor3A_417 = arith.constant -2147483648 : i32
    %xor3A_418 = vector.broadcast %xor3A_417 : i32 to vector<128x1xi32>
    %xor3A_419 = arith.xori %or3A_416, %xor3A_418 : vector<128x1xi32>
    %ge3A_420 = vector.broadcast %xor3A_419 : vector<128x1xi32> to vector<128x4096xi32>
    %ge3A_421 = arith.cmpi sge, %select_n3A_27, %ge3A_420 : vector<128x4096xi32>
    %jit3A_422 = arith.constant 1.000000e+00 : f32
    %jit3A_423 = arith.constant 0.000000e+00 : f32
    %broadcast_in_dim3A_424 = vector.broadcast %jit3A_422 : f32 to vector<128x4096xf32>
    %broadcast_in_dim3A_425 = vector.broadcast %jit3A_423 : f32 to vector<128x4096xf32>
    %select_n3A_426 = arith.select %ge3A_421, %broadcast_in_dim3A_424, %broadcast_in_dim3A_425 : vector<128x4096xi1>, vector<128x4096xf32>
    %reduce_sum3A_427 = arith.constant dense<0.000000e+00> : vector<128xf32>
    %reduce_sum3A_428 = vector.multi_reduction <add>, %select_n3A_426, %reduce_sum3A_427 [1] : vector<128x4096xf32> to vector<128xf32>
    %broadcast_in_dim3A_429 = vector.shape_cast %reduce_sum3A_428 : vector<128xf32> to vector<128x1xf32>
    %ge3A_430 = arith.constant 3.200000e+01 : f32
    %ge3A_431 = vector.broadcast %ge3A_430 : f32 to vector<128x1xf32>
    %ge3A_432 = arith.cmpf oge, %broadcast_in_dim3A_429, %ge3A_431 : vector<128x1xf32>
    %select_n3A_433 = arith.select %ge3A_432, %or3A_416, %select_n3A_409 : vector<128x1xi1>, vector<128x1xi32>
    %scan3A_434 = arith.constant 17 : i32
    %sub3A_435 = arith.constant 31 : i32
    %sub3A_436 = arith.subi %sub3A_435, %scan3A_434 : i32
    %shift_left3A_437 = arith.constant 1 : i32
    %shift_left3A_438 = arith.shli %shift_left3A_437, %sub3A_436 : i32
    %or3A_439 = vector.broadcast %shift_left3A_438 : i32 to vector<128x1xi32>
    %or3A_440 = arith.ori %select_n3A_433, %or3A_439 : vector<128x1xi32>
    %xor3A_441 = arith.constant -2147483648 : i32
    %xor3A_442 = vector.broadcast %xor3A_441 : i32 to vector<128x1xi32>
    %xor3A_443 = arith.xori %or3A_440, %xor3A_442 : vector<128x1xi32>
    %ge3A_444 = vector.broadcast %xor3A_443 : vector<128x1xi32> to vector<128x4096xi32>
    %ge3A_445 = arith.cmpi sge, %select_n3A_27, %ge3A_444 : vector<128x4096xi32>
    %jit3A_446 = arith.constant 1.000000e+00 : f32
    %jit3A_447 = arith.constant 0.000000e+00 : f32
    %broadcast_in_dim3A_448 = vector.broadcast %jit3A_446 : f32 to vector<128x4096xf32>
    %broadcast_in_dim3A_449 = vector.broadcast %jit3A_447 : f32 to vector<128x4096xf32>
    %select_n3A_450 = arith.select %ge3A_445, %broadcast_in_dim3A_448, %broadcast_in_dim3A_449 : vector<128x4096xi1>, vector<128x4096xf32>
    %reduce_sum3A_451 = arith.constant dense<0.000000e+00> : vector<128xf32>
    %reduce_sum3A_452 = vector.multi_reduction <add>, %select_n3A_450, %reduce_sum3A_451 [1] : vector<128x4096xf32> to vector<128xf32>
    %broadcast_in_dim3A_453 = vector.shape_cast %reduce_sum3A_452 : vector<128xf32> to vector<128x1xf32>
    %ge3A_454 = arith.constant 3.200000e+01 : f32
    %ge3A_455 = vector.broadcast %ge3A_454 : f32 to vector<128x1xf32>
    %ge3A_456 = arith.cmpf oge, %broadcast_in_dim3A_453, %ge3A_455 : vector<128x1xf32>
    %select_n3A_457 = arith.select %ge3A_456, %or3A_440, %select_n3A_433 : vector<128x1xi1>, vector<128x1xi32>
    %scan3A_458 = arith.constant 18 : i32
    %sub3A_459 = arith.constant 31 : i32
    %sub3A_460 = arith.subi %sub3A_459, %scan3A_458 : i32
    %shift_left3A_461 = arith.constant 1 : i32
    %shift_left3A_462 = arith.shli %shift_left3A_461, %sub3A_460 : i32
    %or3A_463 = vector.broadcast %shift_left3A_462 : i32 to vector<128x1xi32>
    %or3A_464 = arith.ori %select_n3A_457, %or3A_463 : vector<128x1xi32>
    %xor3A_465 = arith.constant -2147483648 : i32
    %xor3A_466 = vector.broadcast %xor3A_465 : i32 to vector<128x1xi32>
    %xor3A_467 = arith.xori %or3A_464, %xor3A_466 : vector<128x1xi32>
    %ge3A_468 = vector.broadcast %xor3A_467 : vector<128x1xi32> to vector<128x4096xi32>
    %ge3A_469 = arith.cmpi sge, %select_n3A_27, %ge3A_468 : vector<128x4096xi32>
    %jit3A_470 = arith.constant 1.000000e+00 : f32
    %jit3A_471 = arith.constant 0.000000e+00 : f32
    %broadcast_in_dim3A_472 = vector.broadcast %jit3A_470 : f32 to vector<128x4096xf32>
    %broadcast_in_dim3A_473 = vector.broadcast %jit3A_471 : f32 to vector<128x4096xf32>
    %select_n3A_474 = arith.select %ge3A_469, %broadcast_in_dim3A_472, %broadcast_in_dim3A_473 : vector<128x4096xi1>, vector<128x4096xf32>
    %reduce_sum3A_475 = arith.constant dense<0.000000e+00> : vector<128xf32>
    %reduce_sum3A_476 = vector.multi_reduction <add>, %select_n3A_474, %reduce_sum3A_475 [1] : vector<128x4096xf32> to vector<128xf32>
    %broadcast_in_dim3A_477 = vector.shape_cast %reduce_sum3A_476 : vector<128xf32> to vector<128x1xf32>
    %ge3A_478 = arith.constant 3.200000e+01 : f32
    %ge3A_479 = vector.broadcast %ge3A_478 : f32 to vector<128x1xf32>
    %ge3A_480 = arith.cmpf oge, %broadcast_in_dim3A_477, %ge3A_479 : vector<128x1xf32>
    %select_n3A_481 = arith.select %ge3A_480, %or3A_464, %select_n3A_457 : vector<128x1xi1>, vector<128x1xi32>
    %scan3A_482 = arith.constant 19 : i32
    %sub3A_483 = arith.constant 31 : i32
    %sub3A_484 = arith.subi %sub3A_483, %scan3A_482 : i32
    %shift_left3A_485 = arith.constant 1 : i32
    %shift_left3A_486 = arith.shli %shift_left3A_485, %sub3A_484 : i32
    %or3A_487 = vector.broadcast %shift_left3A_486 : i32 to vector<128x1xi32>
    %or3A_488 = arith.ori %select_n3A_481, %or3A_487 : vector<128x1xi32>
    %xor3A_489 = arith.constant -2147483648 : i32
    %xor3A_490 = vector.broadcast %xor3A_489 : i32 to vector<128x1xi32>
    %xor3A_491 = arith.xori %or3A_488, %xor3A_490 : vector<128x1xi32>
    %ge3A_492 = vector.broadcast %xor3A_491 : vector<128x1xi32> to vector<128x4096xi32>
    %ge3A_493 = arith.cmpi sge, %select_n3A_27, %ge3A_492 : vector<128x4096xi32>
    %jit3A_494 = arith.constant 1.000000e+00 : f32
    %jit3A_495 = arith.constant 0.000000e+00 : f32
    %broadcast_in_dim3A_496 = vector.broadcast %jit3A_494 : f32 to vector<128x4096xf32>
    %broadcast_in_dim3A_497 = vector.broadcast %jit3A_495 : f32 to vector<128x4096xf32>
    %select_n3A_498 = arith.select %ge3A_493, %broadcast_in_dim3A_496, %broadcast_in_dim3A_497 : vector<128x4096xi1>, vector<128x4096xf32>
    %reduce_sum3A_499 = arith.constant dense<0.000000e+00> : vector<128xf32>
    %reduce_sum3A_500 = vector.multi_reduction <add>, %select_n3A_498, %reduce_sum3A_499 [1] : vector<128x4096xf32> to vector<128xf32>
    %broadcast_in_dim3A_501 = vector.shape_cast %reduce_sum3A_500 : vector<128xf32> to vector<128x1xf32>
    %ge3A_502 = arith.constant 3.200000e+01 : f32
    %ge3A_503 = vector.broadcast %ge3A_502 : f32 to vector<128x1xf32>
    %ge3A_504 = arith.cmpf oge, %broadcast_in_dim3A_501, %ge3A_503 : vector<128x1xf32>
    %select_n3A_505 = arith.select %ge3A_504, %or3A_488, %select_n3A_481 : vector<128x1xi1>, vector<128x1xi32>
    %scan3A_506 = arith.constant 20 : i32
    %sub3A_507 = arith.constant 31 : i32
    %sub3A_508 = arith.subi %sub3A_507, %scan3A_506 : i32
    %shift_left3A_509 = arith.constant 1 : i32
    %shift_left3A_510 = arith.shli %shift_left3A_509, %sub3A_508 : i32
    %or3A_511 = vector.broadcast %shift_left3A_510 : i32 to vector<128x1xi32>
    %or3A_512 = arith.ori %select_n3A_505, %or3A_511 : vector<128x1xi32>
    %xor3A_513 = arith.constant -2147483648 : i32
    %xor3A_514 = vector.broadcast %xor3A_513 : i32 to vector<128x1xi32>
    %xor3A_515 = arith.xori %or3A_512, %xor3A_514 : vector<128x1xi32>
    %ge3A_516 = vector.broadcast %xor3A_515 : vector<128x1xi32> to vector<128x4096xi32>
    %ge3A_517 = arith.cmpi sge, %select_n3A_27, %ge3A_516 : vector<128x4096xi32>
    %jit3A_518 = arith.constant 1.000000e+00 : f32
    %jit3A_519 = arith.constant 0.000000e+00 : f32
    %broadcast_in_dim3A_520 = vector.broadcast %jit3A_518 : f32 to vector<128x4096xf32>
    %broadcast_in_dim3A_521 = vector.broadcast %jit3A_519 : f32 to vector<128x4096xf32>
    %select_n3A_522 = arith.select %ge3A_517, %broadcast_in_dim3A_520, %broadcast_in_dim3A_521 : vector<128x4096xi1>, vector<128x4096xf32>
    %reduce_sum3A_523 = arith.constant dense<0.000000e+00> : vector<128xf32>
    %reduce_sum3A_524 = vector.multi_reduction <add>, %select_n3A_522, %reduce_sum3A_523 [1] : vector<128x4096xf32> to vector<128xf32>
    %broadcast_in_dim3A_525 = vector.shape_cast %reduce_sum3A_524 : vector<128xf32> to vector<128x1xf32>
    %ge3A_526 = arith.constant 3.200000e+01 : f32
    %ge3A_527 = vector.broadcast %ge3A_526 : f32 to vector<128x1xf32>
    %ge3A_528 = arith.cmpf oge, %broadcast_in_dim3A_525, %ge3A_527 : vector<128x1xf32>
    %select_n3A_529 = arith.select %ge3A_528, %or3A_512, %select_n3A_505 : vector<128x1xi1>, vector<128x1xi32>
    %scan3A_530 = arith.constant 21 : i32
    %sub3A_531 = arith.constant 31 : i32
    %sub3A_532 = arith.subi %sub3A_531, %scan3A_530 : i32
    %shift_left3A_533 = arith.constant 1 : i32
    %shift_left3A_534 = arith.shli %shift_left3A_533, %sub3A_532 : i32
    %or3A_535 = vector.broadcast %shift_left3A_534 : i32 to vector<128x1xi32>
    %or3A_536 = arith.ori %select_n3A_529, %or3A_535 : vector<128x1xi32>
    %xor3A_537 = arith.constant -2147483648 : i32
    %xor3A_538 = vector.broadcast %xor3A_537 : i32 to vector<128x1xi32>
    %xor3A_539 = arith.xori %or3A_536, %xor3A_538 : vector<128x1xi32>
    %ge3A_540 = vector.broadcast %xor3A_539 : vector<128x1xi32> to vector<128x4096xi32>
    %ge3A_541 = arith.cmpi sge, %select_n3A_27, %ge3A_540 : vector<128x4096xi32>
    %jit3A_542 = arith.constant 1.000000e+00 : f32
    %jit3A_543 = arith.constant 0.000000e+00 : f32
    %broadcast_in_dim3A_544 = vector.broadcast %jit3A_542 : f32 to vector<128x4096xf32>
    %broadcast_in_dim3A_545 = vector.broadcast %jit3A_543 : f32 to vector<128x4096xf32>
    %select_n3A_546 = arith.select %ge3A_541, %broadcast_in_dim3A_544, %broadcast_in_dim3A_545 : vector<128x4096xi1>, vector<128x4096xf32>
    %reduce_sum3A_547 = arith.constant dense<0.000000e+00> : vector<128xf32>
    %reduce_sum3A_548 = vector.multi_reduction <add>, %select_n3A_546, %reduce_sum3A_547 [1] : vector<128x4096xf32> to vector<128xf32>
    %broadcast_in_dim3A_549 = vector.shape_cast %reduce_sum3A_548 : vector<128xf32> to vector<128x1xf32>
    %ge3A_550 = arith.constant 3.200000e+01 : f32
    %ge3A_551 = vector.broadcast %ge3A_550 : f32 to vector<128x1xf32>
    %ge3A_552 = arith.cmpf oge, %broadcast_in_dim3A_549, %ge3A_551 : vector<128x1xf32>
    %select_n3A_553 = arith.select %ge3A_552, %or3A_536, %select_n3A_529 : vector<128x1xi1>, vector<128x1xi32>
    %scan3A_554 = arith.constant 22 : i32
    %sub3A_555 = arith.constant 31 : i32
    %sub3A_556 = arith.subi %sub3A_555, %scan3A_554 : i32
    %shift_left3A_557 = arith.constant 1 : i32
    %shift_left3A_558 = arith.shli %shift_left3A_557, %sub3A_556 : i32
    %or3A_559 = vector.broadcast %shift_left3A_558 : i32 to vector<128x1xi32>
    %or3A_560 = arith.ori %select_n3A_553, %or3A_559 : vector<128x1xi32>
    %xor3A_561 = arith.constant -2147483648 : i32
    %xor3A_562 = vector.broadcast %xor3A_561 : i32 to vector<128x1xi32>
    %xor3A_563 = arith.xori %or3A_560, %xor3A_562 : vector<128x1xi32>
    %ge3A_564 = vector.broadcast %xor3A_563 : vector<128x1xi32> to vector<128x4096xi32>
    %ge3A_565 = arith.cmpi sge, %select_n3A_27, %ge3A_564 : vector<128x4096xi32>
    %jit3A_566 = arith.constant 1.000000e+00 : f32
    %jit3A_567 = arith.constant 0.000000e+00 : f32
    %broadcast_in_dim3A_568 = vector.broadcast %jit3A_566 : f32 to vector<128x4096xf32>
    %broadcast_in_dim3A_569 = vector.broadcast %jit3A_567 : f32 to vector<128x4096xf32>
    %select_n3A_570 = arith.select %ge3A_565, %broadcast_in_dim3A_568, %broadcast_in_dim3A_569 : vector<128x4096xi1>, vector<128x4096xf32>
    %reduce_sum3A_571 = arith.constant dense<0.000000e+00> : vector<128xf32>
    %reduce_sum3A_572 = vector.multi_reduction <add>, %select_n3A_570, %reduce_sum3A_571 [1] : vector<128x4096xf32> to vector<128xf32>
    %broadcast_in_dim3A_573 = vector.shape_cast %reduce_sum3A_572 : vector<128xf32> to vector<128x1xf32>
    %ge3A_574 = arith.constant 3.200000e+01 : f32
    %ge3A_575 = vector.broadcast %ge3A_574 : f32 to vector<128x1xf32>
    %ge3A_576 = arith.cmpf oge, %broadcast_in_dim3A_573, %ge3A_575 : vector<128x1xf32>
    %select_n3A_577 = arith.select %ge3A_576, %or3A_560, %select_n3A_553 : vector<128x1xi1>, vector<128x1xi32>
    %scan3A_578 = arith.constant 23 : i32
    %sub3A_579 = arith.constant 31 : i32
    %sub3A_580 = arith.subi %sub3A_579, %scan3A_578 : i32
    %shift_left3A_581 = arith.constant 1 : i32
    %shift_left3A_582 = arith.shli %shift_left3A_581, %sub3A_580 : i32
    %or3A_583 = vector.broadcast %shift_left3A_582 : i32 to vector<128x1xi32>
    %or3A_584 = arith.ori %select_n3A_577, %or3A_583 : vector<128x1xi32>
    %xor3A_585 = arith.constant -2147483648 : i32
    %xor3A_586 = vector.broadcast %xor3A_585 : i32 to vector<128x1xi32>
    %xor3A_587 = arith.xori %or3A_584, %xor3A_586 : vector<128x1xi32>
    %ge3A_588 = vector.broadcast %xor3A_587 : vector<128x1xi32> to vector<128x4096xi32>
    %ge3A_589 = arith.cmpi sge, %select_n3A_27, %ge3A_588 : vector<128x4096xi32>
    %jit3A_590 = arith.constant 1.000000e+00 : f32
    %jit3A_591 = arith.constant 0.000000e+00 : f32
    %broadcast_in_dim3A_592 = vector.broadcast %jit3A_590 : f32 to vector<128x4096xf32>
    %broadcast_in_dim3A_593 = vector.broadcast %jit3A_591 : f32 to vector<128x4096xf32>
    %select_n3A_594 = arith.select %ge3A_589, %broadcast_in_dim3A_592, %broadcast_in_dim3A_593 : vector<128x4096xi1>, vector<128x4096xf32>
    %reduce_sum3A_595 = arith.constant dense<0.000000e+00> : vector<128xf32>
    %reduce_sum3A_596 = vector.multi_reduction <add>, %select_n3A_594, %reduce_sum3A_595 [1] : vector<128x4096xf32> to vector<128xf32>
    %broadcast_in_dim3A_597 = vector.shape_cast %reduce_sum3A_596 : vector<128xf32> to vector<128x1xf32>
    %ge3A_598 = arith.constant 3.200000e+01 : f32
    %ge3A_599 = vector.broadcast %ge3A_598 : f32 to vector<128x1xf32>
    %ge3A_600 = arith.cmpf oge, %broadcast_in_dim3A_597, %ge3A_599 : vector<128x1xf32>
    %select_n3A_601 = arith.select %ge3A_600, %or3A_584, %select_n3A_577 : vector<128x1xi1>, vector<128x1xi32>
    %scan3A_602 = arith.constant 24 : i32
    %sub3A_603 = arith.constant 31 : i32
    %sub3A_604 = arith.subi %sub3A_603, %scan3A_602 : i32
    %shift_left3A_605 = arith.constant 1 : i32
    %shift_left3A_606 = arith.shli %shift_left3A_605, %sub3A_604 : i32
    %or3A_607 = vector.broadcast %shift_left3A_606 : i32 to vector<128x1xi32>
    %or3A_608 = arith.ori %select_n3A_601, %or3A_607 : vector<128x1xi32>
    %xor3A_609 = arith.constant -2147483648 : i32
    %xor3A_610 = vector.broadcast %xor3A_609 : i32 to vector<128x1xi32>
    %xor3A_611 = arith.xori %or3A_608, %xor3A_610 : vector<128x1xi32>
    %ge3A_612 = vector.broadcast %xor3A_611 : vector<128x1xi32> to vector<128x4096xi32>
    %ge3A_613 = arith.cmpi sge, %select_n3A_27, %ge3A_612 : vector<128x4096xi32>
    %jit3A_614 = arith.constant 1.000000e+00 : f32
    %jit3A_615 = arith.constant 0.000000e+00 : f32
    %broadcast_in_dim3A_616 = vector.broadcast %jit3A_614 : f32 to vector<128x4096xf32>
    %broadcast_in_dim3A_617 = vector.broadcast %jit3A_615 : f32 to vector<128x4096xf32>
    %select_n3A_618 = arith.select %ge3A_613, %broadcast_in_dim3A_616, %broadcast_in_dim3A_617 : vector<128x4096xi1>, vector<128x4096xf32>
    %reduce_sum3A_619 = arith.constant dense<0.000000e+00> : vector<128xf32>
    %reduce_sum3A_620 = vector.multi_reduction <add>, %select_n3A_618, %reduce_sum3A_619 [1] : vector<128x4096xf32> to vector<128xf32>
    %broadcast_in_dim3A_621 = vector.shape_cast %reduce_sum3A_620 : vector<128xf32> to vector<128x1xf32>
    %ge3A_622 = arith.constant 3.200000e+01 : f32
    %ge3A_623 = vector.broadcast %ge3A_622 : f32 to vector<128x1xf32>
    %ge3A_624 = arith.cmpf oge, %broadcast_in_dim3A_621, %ge3A_623 : vector<128x1xf32>
    %select_n3A_625 = arith.select %ge3A_624, %or3A_608, %select_n3A_601 : vector<128x1xi1>, vector<128x1xi32>
    %scan3A_626 = arith.constant 25 : i32
    %sub3A_627 = arith.constant 31 : i32
    %sub3A_628 = arith.subi %sub3A_627, %scan3A_626 : i32
    %shift_left3A_629 = arith.constant 1 : i32
    %shift_left3A_630 = arith.shli %shift_left3A_629, %sub3A_628 : i32
    %or3A_631 = vector.broadcast %shift_left3A_630 : i32 to vector<128x1xi32>
    %or3A_632 = arith.ori %select_n3A_625, %or3A_631 : vector<128x1xi32>
    %xor3A_633 = arith.constant -2147483648 : i32
    %xor3A_634 = vector.broadcast %xor3A_633 : i32 to vector<128x1xi32>
    %xor3A_635 = arith.xori %or3A_632, %xor3A_634 : vector<128x1xi32>
    %ge3A_636 = vector.broadcast %xor3A_635 : vector<128x1xi32> to vector<128x4096xi32>
    %ge3A_637 = arith.cmpi sge, %select_n3A_27, %ge3A_636 : vector<128x4096xi32>
    %jit3A_638 = arith.constant 1.000000e+00 : f32
    %jit3A_639 = arith.constant 0.000000e+00 : f32
    %broadcast_in_dim3A_640 = vector.broadcast %jit3A_638 : f32 to vector<128x4096xf32>
    %broadcast_in_dim3A_641 = vector.broadcast %jit3A_639 : f32 to vector<128x4096xf32>
    %select_n3A_642 = arith.select %ge3A_637, %broadcast_in_dim3A_640, %broadcast_in_dim3A_641 : vector<128x4096xi1>, vector<128x4096xf32>
    %reduce_sum3A_643 = arith.constant dense<0.000000e+00> : vector<128xf32>
    %reduce_sum3A_644 = vector.multi_reduction <add>, %select_n3A_642, %reduce_sum3A_643 [1] : vector<128x4096xf32> to vector<128xf32>
    %broadcast_in_dim3A_645 = vector.shape_cast %reduce_sum3A_644 : vector<128xf32> to vector<128x1xf32>
    %ge3A_646 = arith.constant 3.200000e+01 : f32
    %ge3A_647 = vector.broadcast %ge3A_646 : f32 to vector<128x1xf32>
    %ge3A_648 = arith.cmpf oge, %broadcast_in_dim3A_645, %ge3A_647 : vector<128x1xf32>
    %select_n3A_649 = arith.select %ge3A_648, %or3A_632, %select_n3A_625 : vector<128x1xi1>, vector<128x1xi32>
    %scan3A_650 = arith.constant 26 : i32
    %sub3A_651 = arith.constant 31 : i32
    %sub3A_652 = arith.subi %sub3A_651, %scan3A_650 : i32
    %shift_left3A_653 = arith.constant 1 : i32
    %shift_left3A_654 = arith.shli %shift_left3A_653, %sub3A_652 : i32
    %or3A_655 = vector.broadcast %shift_left3A_654 : i32 to vector<128x1xi32>
    %or3A_656 = arith.ori %select_n3A_649, %or3A_655 : vector<128x1xi32>
    %xor3A_657 = arith.constant -2147483648 : i32
    %xor3A_658 = vector.broadcast %xor3A_657 : i32 to vector<128x1xi32>
    %xor3A_659 = arith.xori %or3A_656, %xor3A_658 : vector<128x1xi32>
    %ge3A_660 = vector.broadcast %xor3A_659 : vector<128x1xi32> to vector<128x4096xi32>
    %ge3A_661 = arith.cmpi sge, %select_n3A_27, %ge3A_660 : vector<128x4096xi32>
    %jit3A_662 = arith.constant 1.000000e+00 : f32
    %jit3A_663 = arith.constant 0.000000e+00 : f32
    %broadcast_in_dim3A_664 = vector.broadcast %jit3A_662 : f32 to vector<128x4096xf32>
    %broadcast_in_dim3A_665 = vector.broadcast %jit3A_663 : f32 to vector<128x4096xf32>
    %select_n3A_666 = arith.select %ge3A_661, %broadcast_in_dim3A_664, %broadcast_in_dim3A_665 : vector<128x4096xi1>, vector<128x4096xf32>
    %reduce_sum3A_667 = arith.constant dense<0.000000e+00> : vector<128xf32>
    %reduce_sum3A_668 = vector.multi_reduction <add>, %select_n3A_666, %reduce_sum3A_667 [1] : vector<128x4096xf32> to vector<128xf32>
    %broadcast_in_dim3A_669 = vector.shape_cast %reduce_sum3A_668 : vector<128xf32> to vector<128x1xf32>
    %ge3A_670 = arith.constant 3.200000e+01 : f32
    %ge3A_671 = vector.broadcast %ge3A_670 : f32 to vector<128x1xf32>
    %ge3A_672 = arith.cmpf oge, %broadcast_in_dim3A_669, %ge3A_671 : vector<128x1xf32>
    %select_n3A_673 = arith.select %ge3A_672, %or3A_656, %select_n3A_649 : vector<128x1xi1>, vector<128x1xi32>
    %scan3A_674 = arith.constant 27 : i32
    %sub3A_675 = arith.constant 31 : i32
    %sub3A_676 = arith.subi %sub3A_675, %scan3A_674 : i32
    %shift_left3A_677 = arith.constant 1 : i32
    %shift_left3A_678 = arith.shli %shift_left3A_677, %sub3A_676 : i32
    %or3A_679 = vector.broadcast %shift_left3A_678 : i32 to vector<128x1xi32>
    %or3A_680 = arith.ori %select_n3A_673, %or3A_679 : vector<128x1xi32>
    %xor3A_681 = arith.constant -2147483648 : i32
    %xor3A_682 = vector.broadcast %xor3A_681 : i32 to vector<128x1xi32>
    %xor3A_683 = arith.xori %or3A_680, %xor3A_682 : vector<128x1xi32>
    %ge3A_684 = vector.broadcast %xor3A_683 : vector<128x1xi32> to vector<128x4096xi32>
    %ge3A_685 = arith.cmpi sge, %select_n3A_27, %ge3A_684 : vector<128x4096xi32>
    %jit3A_686 = arith.constant 1.000000e+00 : f32
    %jit3A_687 = arith.constant 0.000000e+00 : f32
    %broadcast_in_dim3A_688 = vector.broadcast %jit3A_686 : f32 to vector<128x4096xf32>
    %broadcast_in_dim3A_689 = vector.broadcast %jit3A_687 : f32 to vector<128x4096xf32>
    %select_n3A_690 = arith.select %ge3A_685, %broadcast_in_dim3A_688, %broadcast_in_dim3A_689 : vector<128x4096xi1>, vector<128x4096xf32>
    %reduce_sum3A_691 = arith.constant dense<0.000000e+00> : vector<128xf32>
    %reduce_sum3A_692 = vector.multi_reduction <add>, %select_n3A_690, %reduce_sum3A_691 [1] : vector<128x4096xf32> to vector<128xf32>
    %broadcast_in_dim3A_693 = vector.shape_cast %reduce_sum3A_692 : vector<128xf32> to vector<128x1xf32>
    %ge3A_694 = arith.constant 3.200000e+01 : f32
    %ge3A_695 = vector.broadcast %ge3A_694 : f32 to vector<128x1xf32>
    %ge3A_696 = arith.cmpf oge, %broadcast_in_dim3A_693, %ge3A_695 : vector<128x1xf32>
    %select_n3A_697 = arith.select %ge3A_696, %or3A_680, %select_n3A_673 : vector<128x1xi1>, vector<128x1xi32>
    %scan3A_698 = arith.constant 28 : i32
    %sub3A_699 = arith.constant 31 : i32
    %sub3A_700 = arith.subi %sub3A_699, %scan3A_698 : i32
    %shift_left3A_701 = arith.constant 1 : i32
    %shift_left3A_702 = arith.shli %shift_left3A_701, %sub3A_700 : i32
    %or3A_703 = vector.broadcast %shift_left3A_702 : i32 to vector<128x1xi32>
    %or3A_704 = arith.ori %select_n3A_697, %or3A_703 : vector<128x1xi32>
    %xor3A_705 = arith.constant -2147483648 : i32
    %xor3A_706 = vector.broadcast %xor3A_705 : i32 to vector<128x1xi32>
    %xor3A_707 = arith.xori %or3A_704, %xor3A_706 : vector<128x1xi32>
    %ge3A_708 = vector.broadcast %xor3A_707 : vector<128x1xi32> to vector<128x4096xi32>
    %ge3A_709 = arith.cmpi sge, %select_n3A_27, %ge3A_708 : vector<128x4096xi32>
    %jit3A_710 = arith.constant 1.000000e+00 : f32
    %jit3A_711 = arith.constant 0.000000e+00 : f32
    %broadcast_in_dim3A_712 = vector.broadcast %jit3A_710 : f32 to vector<128x4096xf32>
    %broadcast_in_dim3A_713 = vector.broadcast %jit3A_711 : f32 to vector<128x4096xf32>
    %select_n3A_714 = arith.select %ge3A_709, %broadcast_in_dim3A_712, %broadcast_in_dim3A_713 : vector<128x4096xi1>, vector<128x4096xf32>
    %reduce_sum3A_715 = arith.constant dense<0.000000e+00> : vector<128xf32>
    %reduce_sum3A_716 = vector.multi_reduction <add>, %select_n3A_714, %reduce_sum3A_715 [1] : vector<128x4096xf32> to vector<128xf32>
    %broadcast_in_dim3A_717 = vector.shape_cast %reduce_sum3A_716 : vector<128xf32> to vector<128x1xf32>
    %ge3A_718 = arith.constant 3.200000e+01 : f32
    %ge3A_719 = vector.broadcast %ge3A_718 : f32 to vector<128x1xf32>
    %ge3A_720 = arith.cmpf oge, %broadcast_in_dim3A_717, %ge3A_719 : vector<128x1xf32>
    %select_n3A_721 = arith.select %ge3A_720, %or3A_704, %select_n3A_697 : vector<128x1xi1>, vector<128x1xi32>
    %scan3A_722 = arith.constant 29 : i32
    %sub3A_723 = arith.constant 31 : i32
    %sub3A_724 = arith.subi %sub3A_723, %scan3A_722 : i32
    %shift_left3A_725 = arith.constant 1 : i32
    %shift_left3A_726 = arith.shli %shift_left3A_725, %sub3A_724 : i32
    %or3A_727 = vector.broadcast %shift_left3A_726 : i32 to vector<128x1xi32>
    %or3A_728 = arith.ori %select_n3A_721, %or3A_727 : vector<128x1xi32>
    %xor3A_729 = arith.constant -2147483648 : i32
    %xor3A_730 = vector.broadcast %xor3A_729 : i32 to vector<128x1xi32>
    %xor3A_731 = arith.xori %or3A_728, %xor3A_730 : vector<128x1xi32>
    %ge3A_732 = vector.broadcast %xor3A_731 : vector<128x1xi32> to vector<128x4096xi32>
    %ge3A_733 = arith.cmpi sge, %select_n3A_27, %ge3A_732 : vector<128x4096xi32>
    %jit3A_734 = arith.constant 1.000000e+00 : f32
    %jit3A_735 = arith.constant 0.000000e+00 : f32
    %broadcast_in_dim3A_736 = vector.broadcast %jit3A_734 : f32 to vector<128x4096xf32>
    %broadcast_in_dim3A_737 = vector.broadcast %jit3A_735 : f32 to vector<128x4096xf32>
    %select_n3A_738 = arith.select %ge3A_733, %broadcast_in_dim3A_736, %broadcast_in_dim3A_737 : vector<128x4096xi1>, vector<128x4096xf32>
    %reduce_sum3A_739 = arith.constant dense<0.000000e+00> : vector<128xf32>
    %reduce_sum3A_740 = vector.multi_reduction <add>, %select_n3A_738, %reduce_sum3A_739 [1] : vector<128x4096xf32> to vector<128xf32>
    %broadcast_in_dim3A_741 = vector.shape_cast %reduce_sum3A_740 : vector<128xf32> to vector<128x1xf32>
    %ge3A_742 = arith.constant 3.200000e+01 : f32
    %ge3A_743 = vector.broadcast %ge3A_742 : f32 to vector<128x1xf32>
    %ge3A_744 = arith.cmpf oge, %broadcast_in_dim3A_741, %ge3A_743 : vector<128x1xf32>
    %select_n3A_745 = arith.select %ge3A_744, %or3A_728, %select_n3A_721 : vector<128x1xi1>, vector<128x1xi32>
    %scan3A_746 = arith.constant 30 : i32
    %sub3A_747 = arith.constant 31 : i32
    %sub3A_748 = arith.subi %sub3A_747, %scan3A_746 : i32
    %shift_left3A_749 = arith.constant 1 : i32
    %shift_left3A_750 = arith.shli %shift_left3A_749, %sub3A_748 : i32
    %or3A_751 = vector.broadcast %shift_left3A_750 : i32 to vector<128x1xi32>
    %or3A_752 = arith.ori %select_n3A_745, %or3A_751 : vector<128x1xi32>
    %xor3A_753 = arith.constant -2147483648 : i32
    %xor3A_754 = vector.broadcast %xor3A_753 : i32 to vector<128x1xi32>
    %xor3A_755 = arith.xori %or3A_752, %xor3A_754 : vector<128x1xi32>
    %ge3A_756 = vector.broadcast %xor3A_755 : vector<128x1xi32> to vector<128x4096xi32>
    %ge3A_757 = arith.cmpi sge, %select_n3A_27, %ge3A_756 : vector<128x4096xi32>
    %jit3A_758 = arith.constant 1.000000e+00 : f32
    %jit3A_759 = arith.constant 0.000000e+00 : f32
    %broadcast_in_dim3A_760 = vector.broadcast %jit3A_758 : f32 to vector<128x4096xf32>
    %broadcast_in_dim3A_761 = vector.broadcast %jit3A_759 : f32 to vector<128x4096xf32>
    %select_n3A_762 = arith.select %ge3A_757, %broadcast_in_dim3A_760, %broadcast_in_dim3A_761 : vector<128x4096xi1>, vector<128x4096xf32>
    %reduce_sum3A_763 = arith.constant dense<0.000000e+00> : vector<128xf32>
    %reduce_sum3A_764 = vector.multi_reduction <add>, %select_n3A_762, %reduce_sum3A_763 [1] : vector<128x4096xf32> to vector<128xf32>
    %broadcast_in_dim3A_765 = vector.shape_cast %reduce_sum3A_764 : vector<128xf32> to vector<128x1xf32>
    %ge3A_766 = arith.constant 3.200000e+01 : f32
    %ge3A_767 = vector.broadcast %ge3A_766 : f32 to vector<128x1xf32>
    %ge3A_768 = arith.cmpf oge, %broadcast_in_dim3A_765, %ge3A_767 : vector<128x1xf32>
    %select_n3A_769 = arith.select %ge3A_768, %or3A_752, %select_n3A_745 : vector<128x1xi1>, vector<128x1xi32>
    %scan3A_770 = arith.constant 31 : i32
    %sub3A_771 = arith.constant 31 : i32
    %sub3A_772 = arith.subi %sub3A_771, %scan3A_770 : i32
    %shift_left3A_773 = arith.constant 1 : i32
    %shift_left3A_774 = arith.shli %shift_left3A_773, %sub3A_772 : i32
    %or3A_775 = vector.broadcast %shift_left3A_774 : i32 to vector<128x1xi32>
    %or3A_776 = arith.ori %select_n3A_769, %or3A_775 : vector<128x1xi32>
    %xor3A_777 = arith.constant -2147483648 : i32
    %xor3A_778 = vector.broadcast %xor3A_777 : i32 to vector<128x1xi32>
    %xor3A_779 = arith.xori %or3A_776, %xor3A_778 : vector<128x1xi32>
    %ge3A_780 = vector.broadcast %xor3A_779 : vector<128x1xi32> to vector<128x4096xi32>
    %ge3A_781 = arith.cmpi sge, %select_n3A_27, %ge3A_780 : vector<128x4096xi32>
    %jit3A_782 = arith.constant 1.000000e+00 : f32
    %jit3A_783 = arith.constant 0.000000e+00 : f32
    %broadcast_in_dim3A_784 = vector.broadcast %jit3A_782 : f32 to vector<128x4096xf32>
    %broadcast_in_dim3A_785 = vector.broadcast %jit3A_783 : f32 to vector<128x4096xf32>
    %select_n3A_786 = arith.select %ge3A_781, %broadcast_in_dim3A_784, %broadcast_in_dim3A_785 : vector<128x4096xi1>, vector<128x4096xf32>
    %reduce_sum3A_787 = arith.constant dense<0.000000e+00> : vector<128xf32>
    %reduce_sum3A_788 = vector.multi_reduction <add>, %select_n3A_786, %reduce_sum3A_787 [1] : vector<128x4096xf32> to vector<128xf32>
    %broadcast_in_dim3A_789 = vector.shape_cast %reduce_sum3A_788 : vector<128xf32> to vector<128x1xf32>
    %ge3A_790 = arith.constant 3.200000e+01 : f32
    %ge3A_791 = vector.broadcast %ge3A_790 : f32 to vector<128x1xf32>
    %ge3A_792 = arith.cmpf oge, %broadcast_in_dim3A_789, %ge3A_791 : vector<128x1xf32>
    %select_n3A_793 = arith.select %ge3A_792, %or3A_776, %select_n3A_769 : vector<128x1xi1>, vector<128x1xi32>
    %scan3A_794 = arith.constant 32 : i32
    %xor3A_795 = arith.constant -2147483648 : i32
    %xor3A_796 = vector.broadcast %xor3A_795 : i32 to vector<128x1xi32>
    %xor3A_797 = arith.xori %select_n3A_793, %xor3A_796 : vector<128x1xi32>
    %bitcast_convert_type3A_798 = tpu.bitcast %slice3A : vector<128x1xf32> -> vector<128x1xi32>
    %ge3A_799 = arith.constant 0 : i32
    %ge3A_800 = vector.broadcast %ge3A_799 : i32 to vector<128x1xi32>
    %ge3A_801 = arith.cmpi sge, %bitcast_convert_type3A_798, %ge3A_800 : vector<128x1xi32>
    %xor3A_802 = arith.constant 2147483647 : i32
    %xor3A_803 = vector.broadcast %xor3A_802 : i32 to vector<128x1xi32>
    %xor3A_804 = arith.xori %bitcast_convert_type3A_798, %xor3A_803 : vector<128x1xi32>
    %select_n3A_805 = arith.select %ge3A_801, %bitcast_convert_type3A_798, %xor3A_804 : vector<128x1xi1>, vector<128x1xi32>
    %max3A = arith.maxsi %select_n3A_805, %xor3A_797 : vector<128x1xi32>
    %ge3A_806 = arith.constant 0 : i32
    %ge3A_807 = vector.broadcast %ge3A_806 : i32 to vector<128x1xi32>
    %ge3A_808 = arith.cmpi sge, %max3A, %ge3A_807 : vector<128x1xi32>
    %xor3A_809 = arith.constant 2147483647 : i32
    %xor3A_810 = vector.broadcast %xor3A_809 : i32 to vector<128x1xi32>
    %xor3A_811 = arith.xori %max3A, %xor3A_810 : vector<128x1xi32>
    %select_n3A_812 = arith.select %ge3A_808, %max3A, %xor3A_811 : vector<128x1xi1>, vector<128x1xi32>
    %bitcast_convert_type3A_813 = tpu.bitcast %select_n3A_812 : vector<128x1xi32> -> vector<128x1xf32>
    %ge3A_814 = vector.broadcast %bitcast_convert_type3A_813 : vector<128x1xf32> to vector<128x8192xf32>
    %ge3A_815 = arith.cmpf oge, %get3A_1, %ge3A_814 : vector<128x8192xf32>
    %jit3A_816 = arith.constant 0.000000e+00 : f32
    %broadcast_in_dim3A_817 = vector.broadcast %jit3A_816 : f32 to vector<128x8192xf32>
    %select_n3A_818 = arith.select %ge3A_815, %get3A_1, %broadcast_in_dim3A_817 : vector<128x8192xi1>, vector<128x8192xf32>
    %swap3A = arith.constant 0 : index
    %swap3A_819 = arith.constant 0 : index
    %swap3A_820 = vector.load %arg4[%swap3A, %swap3A_819] : memref<128x8192xf32, #tpu.memory_space<vmem>>, vector<128x8192xf32>
    tpu.vector_store %arg4[%swap3A, %swap3A_819], %select_n3A_818 {strides = array<i32>} : memref<128x8192xf32, #tpu.memory_space<vmem>>, vector<128x8192xf32>,
    return
  }
}

</mosaic_0001>

<sc_bundles>
// kernel: kernel.5.cloned.1.call-start
scs
__scs_entry_jumppad:
0x0: {  	(pc) =	sbr.rel $0x88, $3  }
0x1: {  	(tag) =	ssettag $0x0;
	lr =	simm.s32 $0x1  }
0x2: {  	[smem:$0x3FA0] =	sst lr;
	_ =	strace $0xD0000000  }
0x3: {  	_ = 	snop  }
0x4: {  	_ = 	snop  }
0x5: {  	_ = 	snop  }
0x6: {  	_ = 	snop  }
0x7: {  	_ = 	snop  }
__scs_overlays_trampoline_lowered:
0x8: {  	[smem:$0x3FAF] =	sst s0  }
0x9: {  	[smem:$0x3FB0] =	sst s1  }
0xa: {  	[smem:$0x3FB1] =	sst s2  }
0xb: {  	[smem:$0x3FB2] =	sst s3  }
0xc: {  	[smem:$0x3FB3] =	sst s4  }
0xd: {  	[smem:$0x3FB4] =	sst s5  }
0xe: {  	[smem:$0x3FB5] =	sst s6  }
0xf: {  	[smem:$0x3FB6] =	sst s7  }
0x10: {  	[smem:$0x3FB7] =	sst s8  }
0x11: {  	[smem:$0x3FB8] =	sst s9;
	s0 =	simm.s32 @!p0 $0x0  }
0x12: {  	s1 =	sld [smem:$0x3F9E];
	s0 =	simm.s32 @p0 $0x1  }
0x13: {  	[smem:$0x3FB9] =	sst s0;
	s0 =	simm.s32 @!p1 $0x0  }
0x14: {  	s2 =	sld [smem:$0x3F9D];
	s0 =	simm.s32 @p1 $0x1  }
0x15: {  	[smem:$0x3FBA] =	sst s0;
	s0 =	simm.s32 @!p2 $0x0  }
0x16: {  	s3 =	sld [smem:$0x3FDB];
	s0 =	simm.s32 @p2 $0x1  }
0x17: {  	s4 =	simm.s32 $0x1BF5;
	[smem:$0x3FBC] =	sst s0  }
0x18: {  	s0 =	sld [smem:$0x3F9F];
	_ =	swait.ge [sflag:s4], $0x0  }
0x19: {  	s7 =	sld [smem:$0x3FA0]  }
0x1a: {  	s8 =	sadd.s32 $0xFFFFE003, lr  }
0x1b: {  	s9 =	sadd.s32 $0xFFFFFEF7, lr;
	s5 =	simm.s32 $0xFFFFFFFF;
	p2 =	slt.u32 s8, $0xFFFFF086  }
0x1c: {  	p1 =	slt.u32 s9, $0xF7A;
	s5 =	simm.s32 @!p2 $0x0  }
0x1d: {  	s5 =	simm.s32 @p1 $0x1;
	p0 =	seq.s32 s7, s2  }
0x1e: {  	s7 =	smul.u32 @!p0 $0xF7A, s2;
	p2 =	seq.s32 @!p0 s5, $0x0  }
0x1f: {  	s9 =	smul.u32 $0xF7A, s1;
	s8 =	simm.s32 @!p0 $0x1BF5;
	p2 =	por !p2, p0  }
0x20: {  	[sflag:s8] =	ssyncset.s32 @!p0 $0xFFFFF086;
	s6 =	sadd.s32 @!p0 s3, s7;
	s7 =	simm.s32 @!p0 $0x108  }
0x21: {  	s3 =	sadd.s32 s3, s9;
	s6 =	sadd.s32 @!p0 $0x88, s6;
	s7 =	simm.s32 @p2 $0x1082  }
0x22: {  	[simem:s7], [sflag:s8] =	dma.local @!p0 [hbm:s6], $0xF7A  }
0x23: {  	s9 =	sor.u32 $0xD0000000, s2;
	s6 =	simm.s32 $0x108;
	_ =	swait.ge @!p0 [sflag:s8], $0x0  }
0x24: {  	s3 =	sadd.s32 $0x88, s3;
	s6 =	simm.s32 @!p1 $0x1082;
	[sflag:s4] =	ssyncset.s32 $0xFFFFF086  }
0x25: {  	[simem:s6], [sflag:s4] =	dma.local [hbm:s3], $0xF7A  }
0x26: {  	[smem:$0x3FA0] =	sst s1;
	(tag) =	ssettag s2;
	_ =	strace s9  }
0x27: {  	s1 =	sld [smem:$0x3FB0]  }
0x28: {  	s2 =	sld [smem:$0x3FB1]  }
0x29: {  	s4 =	sld [smem:$0x3FB3]  }
0x2a: {  	p0 =	seq.s32 s5, $0x0;
	s5 =	sld [smem:$0x3FB4]  }
0x2b: {  	s6 =	sld [smem:$0x3FB5]  }
0x2c: {  	s7 =	sld [smem:$0x3FB6]  }
0x2d: {  	s3 =	simm.s32 $0x108;
	s8 =	sld [smem:$0x3FB7]  }
0x2e: {  	s3 =	simm.s32 @!p0 $0x1082;
	s9 =	sld [smem:$0x3FB8]  }
0x2f: {  	lr =	sadd.s32 s0, s3;
	s0 =	sld [smem:$0x3FAF]  }
0x30: {  	s3 =	sld [smem:$0x3FB2]  }
0x31: {  	[smem:$0x3FBB] =	sst s10  }
0x32: {  	s10 =	sld [smem:$0x3FB9];
	_ =	sdelay $0x3  }
0x33: {  	p0 =	seq.s32 s10, $0x1;
	s10 =	sld [smem:$0x3FBB];
	_ =	sdelay $0x3  }
0x34: {  	[smem:$0x3FBB] =	sst s10  }
0x35: {  	s10 =	sld [smem:$0x3FBA];
	_ =	sdelay $0x3  }
0x36: {  	p1 =	seq.s32 s10, $0x1;
	s10 =	sld [smem:$0x3FBB];
	_ =	sdelay $0x3  }
0x37: {  	[smem:$0x3FBB] =	sst s10  }
0x38: {  	s10 =	sld [smem:$0x3FBC]  }
0x39: {  	_ = 	snop;
	(pc) =	sbr.ind lr, $3  }
0x3a: {  	_ = 	snop  }
0x3b: {  	_ = 	snop  }
0x3c: {  	p2 =	seq.s32 s10, $0x1;
	s10 =	sld [smem:$0x3FBB]  }
0x3d: {  	_ =	shalt  }
0x3e: {  	_ =	shalt  }
0x3f: {  	_ =	shalt  }
0x40: {  	_ =	shalt  }
0x41: {  	_ =	shalt  }
0x42: {  	_ =	shalt  }
0x43: {  	_ =	shalt  }
0x44: {  	_ =	shalt  }
0x45: {  	_ =	shalt  }
0x46: {  	_ =	shalt  }
0x47: {  	_ =	shalt  }
0x48: {  	_ =	shalt  }
0x49: {  	_ =	shalt  }
0x4a: {  	_ =	shalt  }
0x4b: {  	_ =	shalt  }
0x4c: {  	_ =	shalt  }
0x4d: {  	_ =	shalt  }
0x4e: {  	_ =	shalt  }
0x4f: {  	_ =	shalt  }
0x50: {  	_ =	shalt  }
0x51: {  	_ =	shalt  }
0x52: {  	_ =	shalt  }
0x53: {  	_ =	shalt  }
0x54: {  	_ =	shalt  }
0x55: {  	_ =	shalt  }
0x56: {  	_ =	shalt  }
0x57: {  	_ =	shalt  }
0x58: {  	_ =	shalt  }
0x59: {  	_ =	shalt  }
0x5a: {  	_ =	shalt  }
0x5b: {  	_ =	shalt  }
0x5c: {  	_ =	shalt  }
0x5d: {  	_ =	shalt  }
0x5e: {  	_ =	shalt  }
0x5f: {  	_ =	shalt  }
0x60: {  	_ =	shalt  }
0x61: {  	_ =	shalt  }
0x62: {  	_ =	shalt  }
0x63: {  	_ =	shalt  }
0x64: {  	_ =	shalt  }
0x65: {  	_ =	shalt  }
0x66: {  	_ =	shalt  }
0x67: {  	_ =	shalt  }
0x68: {  	_ =	shalt  }
0x69: {  	_ =	shalt  }
0x6a: {  	_ =	shalt  }
0x6b: {  	_ =	shalt  }
0x6c: {  	_ =	shalt  }
0x6d: {  	_ =	shalt  }
0x6e: {  	_ =	shalt  }
0x6f: {  	_ =	shalt  }
0x70: {  	_ =	shalt  }
0x71: {  	_ =	shalt  }
0x72: {  	_ =	shalt  }
0x73: {  	_ =	shalt  }
0x74: {  	_ =	shalt  }
0x75: {  	_ =	shalt  }
0x76: {  	_ =	shalt  }
0x77: {  	_ =	shalt  }
0x78: {  	_ =	shalt  }
0x79: {  	_ =	shalt  }
0x7a: {  	_ =	shalt  }
0x7b: {  	_ =	shalt  }
0x7c: {  	_ =	shalt  }
0x7d: {  	_ =	shalt  }
0x7e: {  	_ =	shalt  }
0x7f: {  	_ =	shalt  }
0x80: {  	_ =	shalt  }
0x81: {  	_ =	shalt  }
0x82: {  	_ =	shalt  }
0x83: {  	_ =	shalt  }
0x84: {  	_ =	shalt  }
0x85: {  	_ =	shalt  }
0x86: {  	_ =	shalt  }
0x87: {  	_ =	shalt  }
.Lfunc_end0:
.L_simem_size_0:
called_computation_lowered:
.L_overlay_start_0:
0x88: {  	s2 =	sld [smem:$0x3FD9]  }
0x89: {  	s3 =	sld [smem:$0x3FFE];
	_ =	sdelay $0x1  }
0x8a: {  	s1 =	srdreg.scid  }
0x8b: {  	s0 =	sand.u32 $0x1, s1  }
0x8c: {  	s17 =	sshll.u32 s0, $0xA;
	s2 =	sadd.s32 s3, s2  }
0x8d: {  	s2 =	sadd.s32 s2, s17  }
0x8e: {  	[smem:$0x3FC7] =	sst s2  }
0x8f: {  	_ = 	snop  }
0x90: {  	s2 =	sld [smem:$0x3FD0];
	(tm) =	ssettm $0x1  }
0x91: {  	s18 =	sld [smem:$0x3FFB];
	_ =	sdelay $0x3  }
0x92: {  	_ =	strace s18  }
0x93: {  	s3 =	sld [smem:$0x3FFC];
	_ =	sdelay $0x3  }
0x94: {  	_ =	strace s3  }
0x95: {  	s3 =	sld [smem:$0x3FFD];
	_ =	sdelay $0x3  }
0x96: {  	_ =	strace s3  }
0x97: {  	_ =	strace $0x8FFFFFFF  }
0x98: {  	s19 =	sld [smem:$0x3FDB];
	_ =	sdelay $0x1  }
0x99: {  	s4 =	simm.s32 $_scs_section_size  }
0x9a: {  	s5 =	simm.s32 $_size__tile_overlayer_lowered;
	s6 =	simm.s32 $_tile_overlayer_lowered  }
0x9b: {  	s22 =	simm.s32 $0x1BFF;
	s21 =	sshll.u32 s6, $0x1;
	s3 =	sadd.s32 s4, s19  }
0x9c: {  	s7 =	simm.s32 $0x0;
	s20 =	sshll.u32 s5, $0x1;
	s5 =	sadd.s32 s21, s3  }
0x9d: {  	[timem:s7], [sflag:s22] =	dma.local [hbm:s5], s20  }
0x9e: {  	_ =	swait.ge [sflag:s22], s20  }
0x9f: {  	s4 =	ssub.s32 $0x0, s20;
	[sflag:s22] =	ssyncset.done $0x0  }
0xa0: {  	[sflag:s22] =	ssyncadd.s32 s4;
	_ =	sdelay $0x1  }
0xa1: {  	s23 =	simm.s32 $0x1B8B  }
0xa2: {  	_ =	swait.ge [sflag:s23], $0x1  }
0xa3: {  	[sflag:s23] =	ssyncset.done $0x0  }
0xa4: {  	s25 =	simm.s32 $0x1B8E;
	s24 =	sld [smem:$0x3FFE];
	[sflag:s23] =	ssyncadd.s32 $0xFFFFFFFF  }
0xa5: {  	s26 =	simm.s32 $execute0_lowered;
	[smem:$0x3FD2] =	sst s25  }
0xa6: {  	s5 =	sshll.u32 s26, $0x1;
	_ =	strace $0x80000046;
	[dreg:$0x1] =	wrdreg $0xFFFFFFFF  }
0xa7: {  	s28 =	simm.s32 $_size_execute0_lowered;
	s3 =	sadd.s32 s3, s5;
	[dreg:$0x0] =	wrdreg $0x0  }
0xa8: {  	s5 =	sshll.u32 s28, $0x1;
	[dreg:$0x2] =	wrdreg s3  }
0xa9: {  	[dreg:$0x3] =	wrdreg s5  }
0xaa: {  	[dreg:$0x4] =	wrdreg $0xC0  }
0xab: {  	_ =	task [dreg:s7], $0x5FFFF  }
0xac: {  	[dreg:$0x1] =	wrdreg $0xFFFFFFFF  }
0xad: {  	[dreg:$0x0] =	wrdreg $0x60  }
0xae: {  	[dreg:$0x2] =	wrdreg s24  }
0xaf: {  	[dreg:$0x3] =	wrdreg s2  }
0xb0: {  	[dreg:$0x4] =	wrdreg $0x9  }
0xb1: {  	_ =	task.clear_ibuf [dreg:s7], $0x5FFFF;
	_ =	strace $0x90000046  }
0xb2: {  	s29 =	simm.s32 $0x9;
	_ =	strace $0x80000048  }
0xb3: {  	_ =	swait.ge [sflag:s29], $0x1  }
0xb4: {  	[sflag:s29] =	ssyncadd.s32 $0xFFFFFFFF  }
0xb5: {  	_ =	strace $0x90000048  }
0xb6: {  	_ =	sfence  }
0xb7: {  	s30 =	sld [smem:$0x0];
	_ =	sdelay $0x2  }
0xb8: {  	s31 =	sshll.u32 s1, $0xD;
	s1 =	sshrl.u32 s1, $0x2  }
0xb9: {  	s3 =	sand.u32 $0x4000, s31;
	s1 =	sadd.s32 s1, s30  }
0xba: {  	s0 =	sor.u32 s3, s0;
	s1 =	sshll.u32 s1, $0x11  }
0xbb: {  	s0 =	sor.u32 s1, s0  }
0xbc: {  	s0 =	sadd.s32 $0x8F2B, s0  }
0xbd: {  	[sflag:s0] =	ssyncadd.remote.s32 $0x1  }
0xbe: {  	_ =	sfence.sel $0xFFFF  }
0xbf: {  	[dreg:$0x0] =	wrdreg $0xFFFFFFFF;
	(pc) =	sbr.abs _section_cstart, $3  }
0xc0: {  	[dreg:$0x1] =	wrdreg $0xFFFFFFFF  }
0xc1: {  	_ =	task.clear_ibuf [dreg:s7], $0x2FFFF;
	_ =	strace $0x9FFFFFFF  }
0xc2: {  	(tm) =	ssettm $0x7FFFFFFF  }
0xc3: {  	_ =	shalt  }
tec
execute0_lowered:
.L_overlay_start_1:
0x0: {  	(tag) =	ssettag $0x1  }
0x1: {  	s4 =	rddreg [dreg:$0x0]  }
0x2: {  	s2 =	rddreg [dreg:$0x1]  }
0x3: {  	s0 =	rddreg [dreg:$0x2]  }
0x4: {  	s5 =	srdreg.scid;
	s1 =	stileid.u32;
	s3 =	simm.s32 $0x0  }
0x5: {  	s5 =	sand.u32 $0x1, s5;
	s6 =	sshll.u32 s1, $0x1;
	[smem:$0x7FF] =	sst s3  }
0x6: {  	s6 =	sor.u32 s5, s6;
	_ =	strace $0x80000047;
	s5 =	ssub.s32 $0x2, s5  }
0x7: {  	s7 =	sshll.u32 s6, $0x5;
	s8 =	sshll.u32 s6, $0xB;
	s19 =	sshrl.u32 s5, $0x1  }
0x8: {  	s6 =	sshll.u32 s6, $0x8;
	s7 =	sadd.s32 s7, s4;
	s8 =	sadd.s32 s8, s4  }
0x9: {  	s9 =	ssub.s32 s5, s19;
	s20 =	sor.u32 $0x10, s6;
	s21 =	sor.u32 $0x20, s6  }
0xa: {  	v15 =	vlaneseq.u32;
	s10 =	sor.u32 $0x30, s6;
	s11 =	sor.u32 $0x40, s6;
	s22 =	sor.u32 $0x50, s6  }
0xb: {  	v16 =	vimm.s32 $0x0;
	s23 =	sor.u32 $0x60, s6;
	s12 =	sor.u32 $0x70, s6;
	s24 =	sor.u32 $0x80, s6;
	v9 =	vor.u32 s6, v15  }
0xc: {  	s25 =	sor.u32 $0x90, s6;
	s26 =	sor.u32 $0xA0, s6;
	s28 =	sor.u32 $0xB0, s6;
	v0 =	vor.u32 s20, v15;
	v1 =	vor.u32 s21, v15;
	v2 =	vor.u32 s10, v15  }
0xd: {  	s29 =	sor.u32 $0xC0, s6;
	s13 =	sor.u32 $0xD0, s6;
	s30 =	sor.u32 $0xE0, s6;
	v3 =	vor.u32 s11, v15;
	v4 =	vor.u32 s22, v15;
	v5 =	vor.u32 s23, v15  }
0xe: {  	s31 =	sor.u32 $0xF0, s6;
	s4 =	sadd.s32 $0xC00, s7;
	v6 =	vor.u32 s12, v15;
	v7 =	vor.u32 s24, v15;
	v8 =	vor.u32 s25, v15;
	s5 =	sadd.s32 $0x1000, s8  }
0xf: {  	v10 =	vor.u32 s26, v15;
	v11 =	vor.u32 s28, v15;
	v12 =	vor.u32 s29, v15;
	s6 =	smax.u32 s9, $0x1;
	s7 =	simm.s32 $0x2;
	s8 =	simm.s32 $0x100  }
0x10: {  	v13 =	vor.u32 s13, v15;
	v14 =	vor.u32 s30, v15;
	v15 =	vor.u32 s31, v15;
	s9 =	simm.s32 $0x80;
	s10 =	simm.s32 $0x180;
	s11 =	simm.s32 $0x1  }
.LBB2_1:
0x11: {  	[tilespmem:s3], [sflag:$0x2] =	stream.linear.gather [hbm4b:s4+s3], $0x100, $0x38;
	[tilespmem:$0x4180] =	vst v63  }
0x12: {  	_ =	swait.ge [sflag:s7], $0x100  }
0x13: {  	[sflag:s7] =	ssyncset.done $0x0  }
0x14: {  	[sflag:s7] =	ssyncadd.s32 $0xFFFFFF00  }
0x15: {  	v17 =	vld [tilespmem:$0x0];
	_ =	sdelay $0x4  }
0x16: {  	[tilespmem:$0x100] =	vst v16;
	v18 =	vtrunc.f32 v17  }
0x17: {  	[tilespmem:$0x110] =	vst v16;
	v18 =	vcvt.f32.s32 v18  }
0x18: {  	[tilespmem:$0x120] =	vst v16;
	vm0 =	vgt.f32 v17, $0.0e+00  }
0x19: {  	[tilespmem:$0x130] =	vst v16;
	v17 =	vadd.s32 $0xFFFFFFFF, v18  }
0x1a: {  	[tilespmem:$0x140] =	vst v16  }
0x1b: {  	[tilespmem:$0x150] =	vst v16  }
0x1c: {  	[tilespmem:$0x160] =	vst v16  }
0x1d: {  	[tilespmem:$0x170] =	vst v16  }
0x1e: {  	[tilespmem:v17+s8+$0x0] =	vst.idx.msk vm0, v9  }
0x1f: {  	v17 =	vld [tilespmem:$0x10];
	_ =	sdelay $0x4  }
0x20: {  	v18 =	vtrunc.f32 v17  }
0x21: {  	v18 =	vcvt.f32.s32 v18  }
0x22: {  	vm13 =	vgt.f32 v17, $0.0e+00  }
0x23: {  	v17 =	vadd.s32 $0xFFFFFFFF, v18;
	_ =	sdelay $0x4  }
0x24: {  	[tilespmem:v17+s8+$0x0] =	vst.idx.msk vm13, v0  }
0x25: {  	v17 =	vld [tilespmem:$0x20];
	_ =	sdelay $0x4  }
0x26: {  	v18 =	vtrunc.f32 v17  }
0x27: {  	v18 =	vcvt.f32.s32 v18  }
0x28: {  	vm14 =	vgt.f32 v17, $0.0e+00  }
0x29: {  	v17 =	vadd.s32 $0xFFFFFFFF, v18;
	_ =	sdelay $0x4  }
0x2a: {  	[tilespmem:v17+s8+$0x0] =	vst.idx.msk vm14, v1  }
0x2b: {  	v17 =	vld [tilespmem:$0x30];
	_ =	sdelay $0x4  }
0x2c: {  	v18 =	vtrunc.f32 v17  }
0x2d: {  	v18 =	vcvt.f32.s32 v18  }
0x2e: {  	vm15 =	vgt.f32 v17, $0.0e+00  }
0x2f: {  	v17 =	vadd.s32 $0xFFFFFFFF, v18;
	_ =	sdelay $0x4  }
0x30: {  	[tilespmem:v17+s8+$0x0] =	vst.idx.msk vm15, v2  }
0x31: {  	v17 =	vld [tilespmem:$0x40];
	_ =	sdelay $0x4  }
0x32: {  	v18 =	vtrunc.f32 v17  }
0x33: {  	v18 =	vcvt.f32.s32 v18  }
0x34: {  	vm4 =	vgt.f32 v17, $0.0e+00  }
0x35: {  	v17 =	vadd.s32 $0x1F, v18;
	_ =	sdelay $0x4  }
0x36: {  	[tilespmem:v17+s8+$0x0] =	vst.idx.msk vm4, v3  }
0x37: {  	v17 =	vld [tilespmem:$0x50];
	_ =	sdelay $0x4  }
0x38: {  	v18 =	vtrunc.f32 v17  }
0x39: {  	v18 =	vcvt.f32.s32 v18  }
0x3a: {  	vm5 =	vgt.f32 v17, $0.0e+00  }
0x3b: {  	v17 =	vadd.s32 $0x1F, v18;
	_ =	sdelay $0x4  }
0x3c: {  	[tilespmem:v17+s8+$0x0] =	vst.idx.msk vm5, v4  }
0x3d: {  	v17 =	vld [tilespmem:$0x60];
	_ =	sdelay $0x4  }
0x3e: {  	v18 =	vtrunc.f32 v17  }
0x3f: {  	v18 =	vcvt.f32.s32 v18  }
0x40: {  	vm6 =	vgt.f32 v17, $0.0e+00  }
0x41: {  	v17 =	vadd.s32 $0x1F, v18;
	_ =	sdelay $0x4  }
0x42: {  	[tilespmem:v17+s8+$0x0] =	vst.idx.msk vm6, v5  }
0x43: {  	v17 =	vld [tilespmem:$0x70];
	_ =	sdelay $0x4  }
0x44: {  	v18 =	vtrunc.f32 v17  }
0x45: {  	v18 =	vcvt.f32.s32 v18  }
0x46: {  	vm7 =	vgt.f32 v17, $0.0e+00  }
0x47: {  	v17 =	vadd.s32 $0x1F, v18;
	_ =	sdelay $0x4  }
0x48: {  	[tilespmem:v17+s8+$0x0] =	vst.idx.msk vm7, v6  }
0x49: {  	v17 =	vld [tilespmem:$0x80];
	_ =	sdelay $0x4  }
0x4a: {  	v18 =	vtrunc.f32 v17  }
0x4b: {  	v18 =	vcvt.f32.s32 v18  }
0x4c: {  	vm8 =	vgt.f32 v17, $0.0e+00  }
0x4d: {  	v17 =	vadd.s32 $0x3F, v18;
	_ =	sdelay $0x4  }
0x4e: {  	[tilespmem:v17+s8+$0x0] =	vst.idx.msk vm8, v7  }
0x4f: {  	v17 =	vld [tilespmem:$0x90];
	_ =	sdelay $0x4  }
0x50: {  	v18 =	vtrunc.f32 v17  }
0x51: {  	v18 =	vcvt.f32.s32 v18  }
0x52: {  	vm9 =	vgt.f32 v17, $0.0e+00  }
0x53: {  	v17 =	vadd.s32 $0x3F, v18;
	_ =	sdelay $0x4  }
0x54: {  	[tilespmem:v17+s8+$0x0] =	vst.idx.msk vm9, v8  }
0x55: {  	v17 =	vld [tilespmem:$0xA0];
	_ =	sdelay $0x4  }
0x56: {  	v18 =	vtrunc.f32 v17  }
0x57: {  	v18 =	vcvt.f32.s32 v18  }
0x58: {  	vm10 =	vgt.f32 v17, $0.0e+00  }
0x59: {  	v17 =	vadd.s32 $0x3F, v18;
	_ =	sdelay $0x4  }
0x5a: {  	[tilespmem:v17+s8+$0x0] =	vst.idx.msk vm10, v10  }
0x5b: {  	v17 =	vld [tilespmem:$0xB0];
	_ =	sdelay $0x4  }
0x5c: {  	v18 =	vtrunc.f32 v17  }
0x5d: {  	v18 =	vcvt.f32.s32 v18  }
0x5e: {  	vm11 =	vgt.f32 v17, $0.0e+00  }
0x5f: {  	v17 =	vadd.s32 $0x3F, v18;
	_ =	sdelay $0x4  }
0x60: {  	[tilespmem:v17+s8+$0x0] =	vst.idx.msk vm11, v11  }
0x61: {  	v17 =	vld [tilespmem:$0xC0];
	_ =	sdelay $0x4  }
0x62: {  	v18 =	vtrunc.f32 v17  }
0x63: {  	v18 =	vcvt.f32.s32 v18  }
0x64: {  	vm12 =	vgt.f32 v17, $0.0e+00  }
0x65: {  	v17 =	vadd.s32 $0x5F, v18;
	_ =	sdelay $0x4  }
0x66: {  	[tilespmem:v17+s8+$0x0] =	vst.idx.msk vm12, v12  }
0x67: {  	v17 =	vld [tilespmem:$0xD0];
	_ =	sdelay $0x4  }
0x68: {  	v18 =	vtrunc.f32 v17  }
0x69: {  	v18 =	vcvt.f32.s32 v18  }
0x6a: {  	vm13 =	vgt.f32 v17, $0.0e+00  }
0x6b: {  	v17 =	vadd.s32 $0x5F, v18;
	_ =	sdelay $0x4  }
0x6c: {  	[tilespmem:v17+s8+$0x0] =	vst.idx.msk vm13, v13  }
0x6d: {  	v17 =	vld [tilespmem:$0xE0];
	_ =	sdelay $0x4  }
0x6e: {  	v18 =	vtrunc.f32 v17  }
0x6f: {  	v18 =	vcvt.f32.s32 v18  }
0x70: {  	vm14 =	vgt.f32 v17, $0.0e+00  }
0x71: {  	v17 =	vadd.s32 $0x5F, v18;
	_ =	sdelay $0x4  }
0x72: {  	[tilespmem:v17+s8+$0x0] =	vst.idx.msk vm14, v14  }
0x73: {  	v17 =	vld [tilespmem:$0xF0];
	_ =	sdelay $0x4  }
0x74: {  	v18 =	vtrunc.f32 v17  }
0x75: {  	v18 =	vcvt.f32.s32 v18  }
0x76: {  	vm15 =	vgt.f32 v17, $0.0e+00  }
0x77: {  	v17 =	vadd.s32 $0x5F, v18;
	_ =	sdelay $0x4  }
0x78: {  	[tilespmem:v17+s8+$0x0] =	vst.idx.msk vm15, v15  }
0x79: {  	[tilespmem:s10], [sflag:$0x1] =	stream.indirect.gather [hbm4b:s2+s9], $0x80, s8, s9, $0xb8;
	[tilespmem:$0x4180] =	vst v63  }
0x7a: {  	_ =	swait.ge [sflag:s11], $0x4000  }
0x7b: {  	p0 =	sne.s32 s6, $0x1;
	[sflag:s11] =	ssyncset.done $0x0  }
.Ltmp0:
0x7c: {  	[sflag:s11] =	ssyncadd.s32 $0xFFFFC000;
	(pc) =	sbr.rel @p0 .LBB2_1-.Ltmp0, $4  }
0x7d: {  	[hbm4b:s5+s3] =	stream.linear.scatter [tilespmem:s10], [sflag:$0x2], $0x4000, $0x38;
	[tilespmem:$0x4180] =	vst v63  }
0x7e: {  	_ =	swait.ge [sflag:s7], $0x4000  }
0x7f: {  	[sflag:s7] =	ssyncset.done $0x0  }
0x80: {  	s6 =	sadd.s32 $0xFFFFFFFF, s6;
	[sflag:s7] =	ssyncadd.s32 $0xFFFFC000  }
0x81: {  	_ =	sfence.sel $0x180000  }
0x82: {  	[bflag:$0x0] =	sbarrier.arrive $0xFFFF  }
0x83: {  	p0 =	sne.s32 s1, $0x0;
	_ =	strace $0x90000047  }
0x84: {  	s0 =	sadd.s32 @!p0 $0x100000, s0;
	[bflag:$0x2] =	sbarrier.arrive $0xFFFF  }
0x85: {  	[sflag:s0] =	ssyncadd.tile.s32 @!p0 $0x1;
	_ =	shalt  }
.Lfunc_end2:
_tile_overlayer_lowered:
.L_overlay_start_2:
0x86: {  	(tag) =	ssettag $0x2  }
0x87: {  	s0 =	rddreg [dreg:$0x0];
	s2 =	stileid.u32  }
0x88: {  	s1 =	rddreg [dreg:$0x1];
	p0 =	sne.s32 s2, $0x0  }
0x89: {  	s3 =	rddreg [dreg:$0x2];
	[bflag:$0x3] =	sbarrier.arrive $0xFFFF;
	s2 =	simm.s32 @!p0 $0x1C02  }
0x8a: {  	[timem:s3], [sflag:s2] =	dma.local @!p0 [hbm:s0], s1  }
0x8b: {  	s0 =	simm.s32 @!p0 $0x2  }
0x8c: {  	_ =	swait.ge @!p0 [sflag:s0], s1  }
0x8d: {  	s1 =	ssub.s32 @!p0 $0x0, s1;
	[sflag:s0] =	ssyncset.done @!p0 $0x0  }
0x8e: {  	[sflag:s0] =	ssyncadd.s32 @!p0 s1  }
0x8f: {  	[bflag:$0x3] =	sbarrier.arrive $0xFFFF  }
0x90: {  	_ =	shalt  }

</sc_bundles>
